<compile_context>
chip_gen: v7x
topology: tpu7x:2x2x1
jax: 0.10.2.dev20260603
libtpu: 0.0.44.dev20260713+nightly
codegen_flags: <defaults>
</compile_context>

<pallas_src>
import dataclasses
import functools

import jax
import jax.numpy as jnp
import numpy as np
from jax import lax
from jax.experimental import pallas as pl
from jax.experimental.pallas import tpu as pltpu
from jax.experimental.pallas import tpu_sc as plsc

N = 10000
E = 160000
C = 256
ALPHA = 0.1
THETA = 0.5
LAYER = 2
BETA = float(np.log(THETA / LAYER + 1.0))
LN_EPS = 1e-5

NC = 2
NS = 16
LANES = 16

CHUNK = 80
E_PAD = 163840
PAD_DST = N
N_PAD = 10240
EPT_B = E // NS
NCHUNK = EPT_B // CHUNK
EPT_A = E_PAD // (NC * NS)
STRIPE = N_PAD // NS

HALF = C // 2
QCH = C // 4

_mesh = plsc.VectorSubcoreMesh(core_axis_name="c", subcore_axis_name="s")

_sc_params = pltpu.CompilerParams()
if "needs_layout_passes" in pltpu.CompilerParams.__dataclass_fields__:
    _sc_params = dataclasses.replace(_sc_params, needs_layout_passes=False)


@functools.partial(
    pl.kernel,
    out_type=jax.ShapeDtypeStruct((NC, N_PAD), jnp.float32),
    mesh=_mesh,
    compiler_params=_sc_params,
    scratch_types=[
        pltpu.VMEM((EPT_A,), jnp.int32),
        pltpu.VMEM((N_PAD,), jnp.float32),
        pltpu.VMEM((NS, STRIPE), jnp.float32),
        pltpu.VMEM((STRIPE,), jnp.float32),
        pltpu.VMEM_SHARED((NS, N_PAD), jnp.float32),
    ],
)
def _deg_kernel(dst_hbm, deg_out, dst_v, hist_v, red_v, out_v, shared):
    c = lax.axis_index("c")
    s = lax.axis_index("s")
    w = c * NS + s

    zeros16 = jnp.zeros((LANES,), jnp.float32)
    ones16 = jnp.ones((LANES,), jnp.float32)

    @pl.loop(0, N_PAD // LANES)
    def _(i):
        hist_v[pl.ds(i * LANES, LANES)] = zeros16

    pltpu.sync_copy(dst_hbm.at[w], dst_v)

    @pl.loop(0, EPT_A // LANES)
    def _(i):
        idx = dst_v[pl.ds(i * LANES, LANES)]
        plsc.addupdate_scatter(hist_v, [idx], ones16)

    pltpu.sync_copy(hist_v, shared.at[s])
    plsc.subcore_barrier()

    pltpu.sync_copy(shared.at[:, pl.ds(s * STRIPE, STRIPE)], red_v)

    @pl.loop(0, STRIPE // LANES)
    def _(k):
        acc = red_v[0, pl.ds(k * LANES, LANES)]
        for r in range(1, NS):
            acc = acc + red_v[r, pl.ds(k * LANES, LANES)]
        out_v[pl.ds(k * LANES, LANES)] = acc

    pltpu.sync_copy(out_v, deg_out.at[c, pl.ds(s * STRIPE, STRIPE)])


NBUF = 3
_NITER = ((NCHUNK + NBUF - 1) // NBUF) * NBUF


@functools.partial(
    pl.kernel,
    out_type=jax.ShapeDtypeStruct((NC, N_PAD, HALF), jnp.float32),
    mesh=_mesh,
    compiler_params=_sc_params,
    scratch_types=[
        pltpu.VMEM((EPT_B,), jnp.int32),
        pltpu.VMEM((CHUNK,), jnp.int32),
        pltpu.VMEM((CHUNK,), jnp.int32),
        pltpu.VMEM((CHUNK,), jnp.int32),
        pltpu.VMEM((CHUNK,), jnp.int32),
        pltpu.VMEM((CHUNK,), jnp.int32),
        pltpu.VMEM((CHUNK,), jnp.int32),
        pltpu.VMEM((NBUF, CHUNK, HALF), jnp.float32),
        pltpu.VMEM_SHARED((N_PAD, HALF), jnp.float32),
        pltpu.SemaphoreType.DMA,
        pltpu.SemaphoreType.DMA,
        pltpu.SemaphoreType.DMA,
    ],
)
def _segsum_kernel(g_hbm, pk_hbm, z_hbm, s_out,
                   pk_v, si0, si1, si2, di0, di1, di2, rows_v, acc,
                   gs0, gs1, gs2):
    c = lax.axis_index("c")
    s = lax.axis_index("s")
    srcs = [si0, si1, si2]
    dsts = [di0, di1, di2]
    gsems = [gs0, gs1, gs2]
    stripe = pl.ds(s * STRIPE, STRIPE)
    base = c * N

    pltpu.sync_copy(z_hbm, acc.at[stripe])
    pltpu.sync_copy(pk_hbm.at[s], pk_v)
    plsc.subcore_barrier()

    def unpack(j, b):
        @pl.loop(0, CHUNK // LANES)
        def _(k):
            w = pk_v[pl.ds(j * CHUNK + k * LANES, LANES)]
            srcs[b][pl.ds(k * LANES, LANES)] = (w & 0xFFFF) + base
            dsts[b][pl.ds(k * LANES, LANES)] = lax.shift_right_logical(w, 16)

    for b in range(NBUF):
        unpack(b, b)
        pltpu.async_copy(g_hbm.at[srcs[b]], rows_v.at[b], gsems[b])

    @pl.loop(0, _NITER, step=NBUF)
    def _(j0):
        for b in range(NBUF):
            j = j0 + b

            @pl.when(j < NCHUNK)
            def _():
                pltpu.make_async_copy(g_hbm.at[srcs[b]], rows_v.at[b],
                                      gsems[b]).wait()
                pltpu.sync_copy(rows_v.at[b], acc.at[dsts[b]], add=True)
                nxt = j + NBUF

                @pl.when(nxt < NCHUNK)
                def _():
                    unpack(nxt, b)
                    pltpu.async_copy(g_hbm.at[srcs[b]], rows_v.at[b], gsems[b])

    plsc.subcore_barrier()
    pltpu.sync_copy(acc.at[stripe], s_out.at[c, stripe])


def _prep_body(x_ref, g0_ref, b0_ref, d0_ref, d1_ref, h_ref, g_ref, dinv_ref):
    xv = x_ref[...]
    mean = jnp.mean(xv, axis=-1, keepdims=True)
    var = jnp.mean(jnp.square(xv - mean), axis=-1, keepdims=True)
    hv = (xv - mean) * lax.rsqrt(var + LN_EPS) * g0_ref[...] + b0_ref[...]
    hv = jnp.maximum(hv, 0.0)
    deg = d0_ref[...] + d1_ref[...] + 1.0
    dinv = lax.rsqrt(deg)
    gv = dinv * hv
    h_ref[...] = hv
    dinv_ref[...] = dinv
    g_ref[...] = jnp.stack([gv[:, :HALF], gv[:, HALF:]], axis=0)


def _combine_body(s_ref, h_ref, dinv_ref, w_ref, out_ref):
    s_all = jnp.concatenate([s_ref[0], s_ref[1]], axis=-1)
    dinv = dinv_ref[...]
    agg = dinv * s_all + (dinv * dinv) * h_ref[...]
    t = (1.0 - ALPHA) * agg + ALPHA * h_ref[...]
    mm = lax.dot(
        t, w_ref[...],
        precision=lax.Precision.HIGHEST,
        preferred_element_type=jnp.float32,
    )
    out_ref[...] = (1.0 - BETA) * t + BETA * mm


_ROWS_BLK = 1000
_GRID = N // _ROWS_BLK


def kernel(x, edge_index, ln_gamma, ln_beta, weight1):
    src = edge_index[0]
    dst = edge_index[1]
    npad = E_PAD - E
    dst_p = jnp.concatenate([dst, jnp.full((npad,), PAD_DST, jnp.int32)])

    dstA = dst_p.reshape(NC * NS, EPT_A)
    pk = ((dst << 16) | src).reshape(NS, EPT_B)

    degA = _deg_kernel(dstA)
    d0 = degA[0, :N].reshape(N, 1)
    d1 = degA[1, :N].reshape(N, 1)

    h, g_st, dinv = pl.pallas_call(
        _prep_body,
        grid=(_GRID,),
        in_specs=[
            pl.BlockSpec((_ROWS_BLK, C), lambda i: (i, 0)),
            pl.BlockSpec((1, C), lambda i: (0, 0)),
            pl.BlockSpec((1, C), lambda i: (0, 0)),
            pl.BlockSpec((_ROWS_BLK, 1), lambda i: (i, 0)),
            pl.BlockSpec((_ROWS_BLK, 1), lambda i: (i, 0)),
        ],
        out_specs=[
            pl.BlockSpec((_ROWS_BLK, C), lambda i: (i, 0)),
            pl.BlockSpec((NC, _ROWS_BLK, HALF), lambda i: (0, i, 0)),
            pl.BlockSpec((_ROWS_BLK, 1), lambda i: (i, 0)),
        ],
        out_shape=[
            jax.ShapeDtypeStruct((N, C), jnp.float32),
            jax.ShapeDtypeStruct((NC, N, HALF), jnp.float32),
            jax.ShapeDtypeStruct((N, 1), jnp.float32),
        ],
    )(x, ln_gamma.reshape(1, C), ln_beta.reshape(1, C), d0, d1)

    g_flat = g_st.reshape(NC * N, HALF)
    zrows = jnp.zeros((STRIPE, HALF), jnp.float32)
    s_sum = _segsum_kernel(g_flat, pk, zrows)

    out = pl.pallas_call(
        _combine_body,
        grid=(_GRID,),
        in_specs=[
            pl.BlockSpec((NC, _ROWS_BLK, HALF), lambda i: (0, i, 0)),
            pl.BlockSpec((_ROWS_BLK, C), lambda i: (i, 0)),
            pl.BlockSpec((_ROWS_BLK, 1), lambda i: (i, 0)),
            pl.BlockSpec((C, C), lambda i: (0, 0)),
        ],
        out_specs=pl.BlockSpec((_ROWS_BLK, C), lambda i: (i, 0)),
        out_shape=jax.ShapeDtypeStruct((N, C), jnp.float32),
    )(s_sum, h, dinv, weight1)
    return out

# --- scband reference (transcript-rebuilt; emitter-appended) ---
"""Pipeline reference for scband-gcn2-conv-block-17145509446020 (READ-ONLY COPY).

The authoritative reference and input builder live on the scoring server;
editing this copy changes nothing except your own understanding.
"""

import jax, jax.numpy as jnp
import numpy as np

N = 10000
E = 160000
C = 256
ALPHA = 0.1
THETA = 0.5
LAYER = 2
BETA = float(np.log(THETA / LAYER + 1.0))
LN_EPS = 1e-5


def setup_inputs(seed: int = 0) -> dict:
    key = jax.random.key(seed)
    k1, k2, k3 = jax.random.split(key, 3)
    x = jax.random.normal(k1, (N, C), dtype=jnp.float32)
    edge_index = jax.random.randint(k2, (2, E), 0, N, dtype=jnp.int32)
    # LayerNorm affine params (elementwise_affine=True)
    ln_gamma = jnp.ones((C,), dtype=jnp.float32)
    ln_beta = jnp.zeros((C,), dtype=jnp.float32)
    # GCN2Conv weight1 (shared_weights=True -> only weight1), glorot init
    limit = float(np.sqrt(6.0 / (C + C)))
    weight1 = jax.random.uniform(k3, (C, C), dtype=jnp.float32, minval=-limit, maxval=limit)
    return {"x": x, "edge_index": edge_index, "ln_gamma": ln_gamma, "ln_beta": ln_beta, "weight1": weight1}


def reference(x, edge_index, ln_gamma, ln_beta, weight1):
    # LayerNorm + ReLU
    mean = jnp.mean(x, axis=-1, keepdims=True)
    var = jnp.var(x, axis=-1, keepdims=True)
    h = (x - mean) / jnp.sqrt(var + LN_EPS) * ln_gamma + ln_beta
    h = jax.nn.relu(h)
    x0 = h  # initial residual representation entering the conv

    # GCN normalization with added self-loops, edge_weight = ones
    loop = jnp.arange(N, dtype=edge_index.dtype)
    src = jnp.concatenate([edge_index[0], loop])
    dst = jnp.concatenate([edge_index[1], loop])
    ew = jnp.ones((E + N,), dtype=jnp.float32)
    deg = jnp.zeros((N,), dtype=jnp.float32).at[dst].add(ew)
    dinv = jnp.where(deg > 0, jax.lax.rsqrt(deg), 0.0)
    norm = dinv[src] * ew * dinv[dst]

    # message passing: scatter-add of normalized neighbor features
    msg = h[src] * norm[:, None]
    agg = jnp.zeros((N, C), dtype=jnp.float32).at[dst].add(msg)

    # GCNII combine: ((1-alpha) P x + alpha x0) ((1-beta) I + beta W1)
    out = (1.0 - ALPHA) * agg + ALPHA * x0
    out = (1.0 - BETA) * out + BETA * (out @ weight1)
    return out

if __name__ == "__main__":
    import jax
    _d = setup_inputs()
    print(jax.jit(kernel)(*tuple(_d.values())))

</pallas_src>

<mosaic_0001>
#map = affine_map<(d0, d1) -> (0, 0)>
module attributes {stable_mosaic.version = 14 : i64} {
  func.func @_deg_kernel(%arg0: i32, %arg1: i32, %arg2: memref<32x5120xi32, #tpu.memory_space<hbm>>, %arg3: memref<2x10240xf32, #tpu.memory_space<hbm>>, %arg4: memref<5120xi32, #tpu.memory_space<vmem>>, %arg5: memref<10240xf32, #tpu.memory_space<vmem>>, %arg6: memref<16x640xf32, #tpu.memory_space<vmem>>, %arg7: memref<640xf32, #tpu.memory_space<vmem>>, %arg8: memref<16x10240xf32, #tpu.memory_space<vmem_shared>>) attributes {dimension_semantics = [#tpu.dimension_semantics<core_parallel>, #tpu.dimension_semantics<subcore_parallel>], iteration_bounds = array<i64: 2, 16>, scalar_prefetch = 0 : i64, scratch_operands = 5 : i64, tpu.core_type = #tpu.core_type<sc_vector_subcore>, window_params = [{transform_indices = #map}, {transform_indices = #map}]} {
    %mul3A = arith.constant 16 : i32
    %mul3A_0 = arith.muli %arg0, %mul3A : i32
    %add3A = arith.addi %mul3A_0, %arg1 : i32
    %broadcast_in_dim3A = arith.constant 0.000000e+00 : f32
    %broadcast_in_dim3A_1 = vector.broadcast %broadcast_in_dim3A : f32 to vector<16xf32>
    %broadcast_in_dim3A_2 = arith.constant 1.000000e+00 : f32
    %broadcast_in_dim3A_3 = vector.broadcast %broadcast_in_dim3A_2 : f32 to vector<16xf32>
    %scan3A = arith.constant 0 : i32
    %scan3A_4 = arith.constant 640 : i32
    %scan3A_5 = arith.addi %scan3A, %scan3A_4 : i32
    %scan3A_6 = arith.constant 1 : i32
    scf.for %scan3A_22 = %scan3A to %scan3A_5 step %scan3A_6  : i32 {
      %mul3A_23 = arith.constant 1 : i32
      %mul3A_24 = arith.muli %scan3A_22, %mul3A_23 : i32
      %add3A_25 = arith.constant 0 : i32
      %add3A_26 = arith.addi %add3A_25, %mul3A_24 : i32
      %mul3A_27 = arith.constant 16 : i32
      %mul3A_28 = arith.muli %add3A_26, %mul3A_27 : i32
      %swap3A = arith.index_cast %mul3A_28 : i32 to index
      %swap3A_29 = tpu.vector_load %arg5[%swap3A] {strides = array<i32>} : memref<10240xf32, #tpu.memory_space<vmem>>, vector<16xf32>,
      tpu.vector_store %arg5[%swap3A], %broadcast_in_dim3A_1 {strides = array<i32>} : memref<10240xf32, #tpu.memory_space<vmem>>, vector<16xf32>,
    }
    %scan3A_7 = arith.constant 640 : i32
    "tpu.region"() ({
      %run_scoped3A = tpu.sem_alloc : memref<!tpu.dma_semaphore, #tpu.memory_space<semaphore_mem>>
      %dma_start3A = arith.constant 0 : i32
      %dma_start3A_22 = tpu.memref_slice %arg2[%add3A, %dma_start3A] : memref<32x5120xi32, #tpu.memory_space<hbm>> -> memref<1x5120xi32, #tpu.memory_space<hbm>>
      %dma_start3A_23 = tpu.memref_squeeze %dma_start3A_22 : memref<1x5120xi32, #tpu.memory_space<hbm>> -> memref<5120xi32, #tpu.memory_space<hbm>>
      %dma_start3A_24 = arith.constant 0 : i32
      %dma_start3A_25 = tpu.memref_slice %arg2[%add3A, %dma_start3A_24] : memref<32x5120xi32, #tpu.memory_space<hbm>> -> memref<1x5120xi32, #tpu.memory_space<hbm>>
      %dma_start3A_26 = tpu.memref_squeeze %dma_start3A_25 : memref<1x5120xi32, #tpu.memory_space<hbm>> -> memref<5120xi32, #tpu.memory_space<hbm>>
      tpu.enqueue_dma source(%dma_start3A_26 : memref<5120xi32, #tpu.memory_space<hbm>>) target(%arg4 : memref<5120xi32, #tpu.memory_space<vmem>>) target_semaphore(%run_scoped3A : memref<!tpu.dma_semaphore, #tpu.memory_space<semaphore_mem>>)
      %dma_wait3A = arith.constant 0 : i32
      %dma_wait3A_27 = tpu.memref_slice %arg2[%add3A, %dma_wait3A] : memref<32x5120xi32, #tpu.memory_space<hbm>> -> memref<1x5120xi32, #tpu.memory_space<hbm>>
      %dma_wait3A_28 = tpu.memref_squeeze %dma_wait3A_27 : memref<1x5120xi32, #tpu.memory_space<hbm>> -> memref<5120xi32, #tpu.memory_space<hbm>>
      %dma_wait3A_29 = arith.constant 0 : i32
      %dma_wait3A_30 = tpu.memref_slice %arg2[%add3A, %dma_wait3A_29] : memref<32x5120xi32, #tpu.memory_space<hbm>> -> memref<1x5120xi32, #tpu.memory_space<hbm>>
      %dma_wait3A_31 = tpu.memref_squeeze %dma_wait3A_30 : memref<1x5120xi32, #tpu.memory_space<hbm>> -> memref<5120xi32, #tpu.memory_space<hbm>>
      tpu.wait_dma2 semaphore(%run_scoped3A : memref<!tpu.dma_semaphore, #tpu.memory_space<semaphore_mem>>) src(%dma_wait3A_31 : memref<5120xi32, #tpu.memory_space<hbm>>) dst(%arg4 : memref<5120xi32, #tpu.memory_space<vmem>>)
      tpu.yield
    }) : () -> ()
    %scan3A_8 = arith.constant 0 : i32
    %scan3A_9 = arith.constant 320 : i32
    %scan3A_10 = arith.addi %scan3A_8, %scan3A_9 : i32
    %scan3A_11 = arith.constant 1 : i32
    scf.for %scan3A_22 = %scan3A_8 to %scan3A_10 step %scan3A_11  : i32 {
      %mul3A_23 = arith.constant 1 : i32
      %mul3A_24 = arith.muli %scan3A_22, %mul3A_23 : i32
      %add3A_25 = arith.constant 0 : i32
      %add3A_26 = arith.addi %add3A_25, %mul3A_24 : i32
      %mul3A_27 = arith.constant 16 : i32
      %mul3A_28 = arith.muli %add3A_26, %mul3A_27 : i32
      %get3A = arith.index_cast %mul3A_28 : i32 to index
      %get3A_29 = tpu.vector_load %arg4[%get3A] {strides = array<i32>} : memref<5120xi32, #tpu.memory_space<vmem>>, vector<16xi32>,
      tpu.vector_store_idx %arg5[%get3A_29], %broadcast_in_dim3A_3 {add = true} : memref<10240xf32, #tpu.memory_space<vmem>>[vector<16xi32>], vector<16xf32>,
    }
    %scan3A_12 = arith.constant 320 : i32
    "tpu.region"() ({
      %run_scoped3A = tpu.sem_alloc : memref<!tpu.dma_semaphore, #tpu.memory_space<semaphore_mem>>
      %dma_start3A = arith.constant 0 : i32
      %dma_start3A_22 = tpu.memref_slice %arg8[%arg1, %dma_start3A] : memref<16x10240xf32, #tpu.memory_space<vmem_shared>> -> memref<1x10240xf32, #tpu.memory_space<vmem_shared>>
      %dma_start3A_23 = tpu.memref_squeeze %dma_start3A_22 : memref<1x10240xf32, #tpu.memory_space<vmem_shared>> -> memref<10240xf32, #tpu.memory_space<vmem_shared>>
      %dma_start3A_24 = arith.constant 0 : i32
      %dma_start3A_25 = tpu.memref_slice %arg8[%arg1, %dma_start3A_24] : memref<16x10240xf32, #tpu.memory_space<vmem_shared>> -> memref<1x10240xf32, #tpu.memory_space<vmem_shared>>
      %dma_start3A_26 = tpu.memref_squeeze %dma_start3A_25 : memref<1x10240xf32, #tpu.memory_space<vmem_shared>> -> memref<10240xf32, #tpu.memory_space<vmem_shared>>
      tpu.enqueue_dma source(%arg5 : memref<10240xf32, #tpu.memory_space<vmem>>) target(%dma_start3A_26 : memref<10240xf32, #tpu.memory_space<vmem_shared>>) target_semaphore(%run_scoped3A : memref<!tpu.dma_semaphore, #tpu.memory_space<semaphore_mem>>)
      %dma_wait3A = arith.constant 0 : i32
      %dma_wait3A_27 = tpu.memref_slice %arg8[%arg1, %dma_wait3A] : memref<16x10240xf32, #tpu.memory_space<vmem_shared>> -> memref<1x10240xf32, #tpu.memory_space<vmem_shared>>
      %dma_wait3A_28 = tpu.memref_squeeze %dma_wait3A_27 : memref<1x10240xf32, #tpu.memory_space<vmem_shared>> -> memref<10240xf32, #tpu.memory_space<vmem_shared>>
      %dma_wait3A_29 = arith.constant 0 : i32
      %dma_wait3A_30 = tpu.memref_slice %arg8[%arg1, %dma_wait3A_29] : memref<16x10240xf32, #tpu.memory_space<vmem_shared>> -> memref<1x10240xf32, #tpu.memory_space<vmem_shared>>
      %dma_wait3A_31 = tpu.memref_squeeze %dma_wait3A_30 : memref<1x10240xf32, #tpu.memory_space<vmem_shared>> -> memref<10240xf32, #tpu.memory_space<vmem_shared>>
      tpu.wait_dma2 semaphore(%run_scoped3A : memref<!tpu.dma_semaphore, #tpu.memory_space<semaphore_mem>>) src(%arg5 : memref<10240xf32, #tpu.memory_space<vmem>>) dst(%dma_wait3A_31 : memref<10240xf32, #tpu.memory_space<vmem_shared>>)
      tpu.yield
    }) : () -> ()
    %barrier3A = arith.constant 0 : index
    tpu.barrier barrier_id(%barrier3A)
    %mul3A_13 = arith.constant 640 : i32
    %mul3A_14 = arith.muli %arg1, %mul3A_13 : i32
    "tpu.region"() ({
      %run_scoped3A = tpu.sem_alloc : memref<!tpu.dma_semaphore, #tpu.memory_space<semaphore_mem>>
      %dma_start3A = arith.constant 0 : i32
      %dma_start3A_22 = tpu.memref_slice %arg8[%dma_start3A, %mul3A_14] : memref<16x10240xf32, #tpu.memory_space<vmem_shared>> -> memref<16x640xf32, #tpu.memory_space<vmem_shared>>
      %dma_start3A_23 = arith.constant 0 : i32
      %dma_start3A_24 = tpu.memref_slice %arg8[%dma_start3A_23, %mul3A_14] : memref<16x10240xf32, #tpu.memory_space<vmem_shared>> -> memref<16x640xf32, #tpu.memory_space<vmem_shared>>
      tpu.enqueue_dma source(%dma_start3A_24 : memref<16x640xf32, #tpu.memory_space<vmem_shared>>) target(%arg6 : memref<16x640xf32, #tpu.memory_space<vmem>>) target_semaphore(%run_scoped3A : memref<!tpu.dma_semaphore, #tpu.memory_space<semaphore_mem>>)
      %dma_wait3A = arith.constant 0 : i32
      %dma_wait3A_25 = tpu.memref_slice %arg8[%dma_wait3A, %mul3A_14] : memref<16x10240xf32, #tpu.memory_space<vmem_shared>> -> memref<16x640xf32, #tpu.memory_space<vmem_shared>>
      %dma_wait3A_26 = arith.constant 0 : i32
      %dma_wait3A_27 = tpu.memref_slice %arg8[%dma_wait3A_26, %mul3A_14] : memref<16x10240xf32, #tpu.memory_space<vmem_shared>> -> memref<16x640xf32, #tpu.memory_space<vmem_shared>>
      tpu.wait_dma2 semaphore(%run_scoped3A : memref<!tpu.dma_semaphore, #tpu.memory_space<semaphore_mem>>) src(%dma_wait3A_27 : memref<16x640xf32, #tpu.memory_space<vmem_shared>>) dst(%arg6 : memref<16x640xf32, #tpu.memory_space<vmem>>)
      tpu.yield
    }) : () -> ()
    %scan3A_15 = arith.constant 0 : i32
    %scan3A_16 = arith.constant 40 : i32
    %scan3A_17 = arith.addi %scan3A_15, %scan3A_16 : i32
    %scan3A_18 = arith.constant 1 : i32
    scf.for %scan3A_22 = %scan3A_15 to %scan3A_17 step %scan3A_18  : i32 {
      %mul3A_23 = arith.constant 1 : i32
      %mul3A_24 = arith.muli %scan3A_22, %mul3A_23 : i32
      %add3A_25 = arith.constant 0 : i32
      %add3A_26 = arith.addi %add3A_25, %mul3A_24 : i32
      %mul3A_27 = arith.constant 16 : i32
      %mul3A_28 = arith.muli %add3A_26, %mul3A_27 : i32
      %get3A = arith.constant 0 : i32
      %get3A_29 = arith.index_cast %get3A : i32 to index
      %get3A_30 = arith.index_cast %mul3A_28 : i32 to index
      %get3A_31 = tpu.vector_load %arg6[%get3A_29, %get3A_30] {strides = array<i32>} : memref<16x640xf32, #tpu.memory_space<vmem>>, vector<16xf32>,
      %mul3A_32 = arith.constant 16 : i32
      %mul3A_33 = arith.muli %add3A_26, %mul3A_32 : i32
      %get3A_34 = arith.constant 1 : i32
      %get3A_35 = arith.index_cast %get3A_34 : i32 to index
      %get3A_36 = arith.index_cast %mul3A_33 : i32 to index
      %get3A_37 = tpu.vector_load %arg6[%get3A_35, %get3A_36] {strides = array<i32>} : memref<16x640xf32, #tpu.memory_space<vmem>>, vector<16xf32>,
      %add3A_38 = arith.addf %get3A_31, %get3A_37 : vector<16xf32>
      %mul3A_39 = arith.constant 16 : i32
      %mul3A_40 = arith.muli %add3A_26, %mul3A_39 : i32
      %get3A_41 = arith.constant 2 : i32
      %get3A_42 = arith.index_cast %get3A_41 : i32 to index
      %get3A_43 = arith.index_cast %mul3A_40 : i32 to index
      %get3A_44 = tpu.vector_load %arg6[%get3A_42, %get3A_43] {strides = array<i32>} : memref<16x640xf32, #tpu.memory_space<vmem>>, vector<16xf32>,
      %add3A_45 = arith.addf %add3A_38, %get3A_44 : vector<16xf32>
      %mul3A_46 = arith.constant 16 : i32
      %mul3A_47 = arith.muli %add3A_26, %mul3A_46 : i32
      %get3A_48 = arith.constant 3 : i32
      %get3A_49 = arith.index_cast %get3A_48 : i32 to index
      %get3A_50 = arith.index_cast %mul3A_47 : i32 to index
      %get3A_51 = tpu.vector_load %arg6[%get3A_49, %get3A_50] {strides = array<i32>} : memref<16x640xf32, #tpu.memory_space<vmem>>, vector<16xf32>,
      %add3A_52 = arith.addf %add3A_45, %get3A_51 : vector<16xf32>
      %mul3A_53 = arith.constant 16 : i32
      %mul3A_54 = arith.muli %add3A_26, %mul3A_53 : i32
      %get3A_55 = arith.constant 4 : i32
      %get3A_56 = arith.index_cast %get3A_55 : i32 to index
      %get3A_57 = arith.index_cast %mul3A_54 : i32 to index
      %get3A_58 = tpu.vector_load %arg6[%get3A_56, %get3A_57] {strides = array<i32>} : memref<16x640xf32, #tpu.memory_space<vmem>>, vector<16xf32>,
      %add3A_59 = arith.addf %add3A_52, %get3A_58 : vector<16xf32>
      %mul3A_60 = arith.constant 16 : i32
      %mul3A_61 = arith.muli %add3A_26, %mul3A_60 : i32
      %get3A_62 = arith.constant 5 : i32
      %get3A_63 = arith.index_cast %get3A_62 : i32 to index
      %get3A_64 = arith.index_cast %mul3A_61 : i32 to index
      %get3A_65 = tpu.vector_load %arg6[%get3A_63, %get3A_64] {strides = array<i32>} : memref<16x640xf32, #tpu.memory_space<vmem>>, vector<16xf32>,
      %add3A_66 = arith.addf %add3A_59, %get3A_65 : vector<16xf32>
      %mul3A_67 = arith.constant 16 : i32
      %mul3A_68 = arith.muli %add3A_26, %mul3A_67 : i32
      %get3A_69 = arith.constant 6 : i32
      %get3A_70 = arith.index_cast %get3A_69 : i32 to index
      %get3A_71 = arith.index_cast %mul3A_68 : i32 to index
      %get3A_72 = tpu.vector_load %arg6[%get3A_70, %get3A_71] {strides = array<i32>} : memref<16x640xf32, #tpu.memory_space<vmem>>, vector<16xf32>,
      %add3A_73 = arith.addf %add3A_66, %get3A_72 : vector<16xf32>
      %mul3A_74 = arith.constant 16 : i32
      %mul3A_75 = arith.muli %add3A_26, %mul3A_74 : i32
      %get3A_76 = arith.constant 7 : i32
      %get3A_77 = arith.index_cast %get3A_76 : i32 to index
      %get3A_78 = arith.index_cast %mul3A_75 : i32 to index
      %get3A_79 = tpu.vector_load %arg6[%get3A_77, %get3A_78] {strides = array<i32>} : memref<16x640xf32, #tpu.memory_space<vmem>>, vector<16xf32>,
      %add3A_80 = arith.addf %add3A_73, %get3A_79 : vector<16xf32>
      %mul3A_81 = arith.constant 16 : i32
      %mul3A_82 = arith.muli %add3A_26, %mul3A_81 : i32
      %get3A_83 = arith.constant 8 : i32
      %get3A_84 = arith.index_cast %get3A_83 : i32 to index
      %get3A_85 = arith.index_cast %mul3A_82 : i32 to index
      %get3A_86 = tpu.vector_load %arg6[%get3A_84, %get3A_85] {strides = array<i32>} : memref<16x640xf32, #tpu.memory_space<vmem>>, vector<16xf32>,
      %add3A_87 = arith.addf %add3A_80, %get3A_86 : vector<16xf32>
      %mul3A_88 = arith.constant 16 : i32
      %mul3A_89 = arith.muli %add3A_26, %mul3A_88 : i32
      %get3A_90 = arith.constant 9 : i32
      %get3A_91 = arith.index_cast %get3A_90 : i32 to index
      %get3A_92 = arith.index_cast %mul3A_89 : i32 to index
      %get3A_93 = tpu.vector_load %arg6[%get3A_91, %get3A_92] {strides = array<i32>} : memref<16x640xf32, #tpu.memory_space<vmem>>, vector<16xf32>,
      %add3A_94 = arith.addf %add3A_87, %get3A_93 : vector<16xf32>
      %mul3A_95 = arith.constant 16 : i32
      %mul3A_96 = arith.muli %add3A_26, %mul3A_95 : i32
      %get3A_97 = arith.constant 10 : i32
      %get3A_98 = arith.index_cast %get3A_97 : i32 to index
      %get3A_99 = arith.index_cast %mul3A_96 : i32 to index
      %get3A_100 = tpu.vector_load %arg6[%get3A_98, %get3A_99] {strides = array<i32>} : memref<16x640xf32, #tpu.memory_space<vmem>>, vector<16xf32>,
      %add3A_101 = arith.addf %add3A_94, %get3A_100 : vector<16xf32>
      %mul3A_102 = arith.constant 16 : i32
      %mul3A_103 = arith.muli %add3A_26, %mul3A_102 : i32
      %get3A_104 = arith.constant 11 : i32
      %get3A_105 = arith.index_cast %get3A_104 : i32 to index
      %get3A_106 = arith.index_cast %mul3A_103 : i32 to index
      %get3A_107 = tpu.vector_load %arg6[%get3A_105, %get3A_106] {strides = array<i32>} : memref<16x640xf32, #tpu.memory_space<vmem>>, vector<16xf32>,
      %add3A_108 = arith.addf %add3A_101, %get3A_107 : vector<16xf32>
      %mul3A_109 = arith.constant 16 : i32
      %mul3A_110 = arith.muli %add3A_26, %mul3A_109 : i32
      %get3A_111 = arith.constant 12 : i32
      %get3A_112 = arith.index_cast %get3A_111 : i32 to index
      %get3A_113 = arith.index_cast %mul3A_110 : i32 to index
      %get3A_114 = tpu.vector_load %arg6[%get3A_112, %get3A_113] {strides = array<i32>} : memref<16x640xf32, #tpu.memory_space<vmem>>, vector<16xf32>,
      %add3A_115 = arith.addf %add3A_108, %get3A_114 : vector<16xf32>
      %mul3A_116 = arith.constant 16 : i32
      %mul3A_117 = arith.muli %add3A_26, %mul3A_116 : i32
      %get3A_118 = arith.constant 13 : i32
      %get3A_119 = arith.index_cast %get3A_118 : i32 to index
      %get3A_120 = arith.index_cast %mul3A_117 : i32 to index
      %get3A_121 = tpu.vector_load %arg6[%get3A_119, %get3A_120] {strides = array<i32>} : memref<16x640xf32, #tpu.memory_space<vmem>>, vector<16xf32>,
      %add3A_122 = arith.addf %add3A_115, %get3A_121 : vector<16xf32>
      %mul3A_123 = arith.constant 16 : i32
      %mul3A_124 = arith.muli %add3A_26, %mul3A_123 : i32
      %get3A_125 = arith.constant 14 : i32
      %get3A_126 = arith.index_cast %get3A_125 : i32 to index
      %get3A_127 = arith.index_cast %mul3A_124 : i32 to index
      %get3A_128 = tpu.vector_load %arg6[%get3A_126, %get3A_127] {strides = array<i32>} : memref<16x640xf32, #tpu.memory_space<vmem>>, vector<16xf32>,
      %add3A_129 = arith.addf %add3A_122, %get3A_128 : vector<16xf32>
      %mul3A_130 = arith.constant 16 : i32
      %mul3A_131 = arith.muli %add3A_26, %mul3A_130 : i32
      %get3A_132 = arith.constant 15 : i32
      %get3A_133 = arith.index_cast %get3A_132 : i32 to index
      %get3A_134 = arith.index_cast %mul3A_131 : i32 to index
      %get3A_135 = tpu.vector_load %arg6[%get3A_133, %get3A_134] {strides = array<i32>} : memref<16x640xf32, #tpu.memory_space<vmem>>, vector<16xf32>,
      %add3A_136 = arith.addf %add3A_129, %get3A_135 : vector<16xf32>
      %mul3A_137 = arith.constant 16 : i32
      %mul3A_138 = arith.muli %add3A_26, %mul3A_137 : i32
      %swap3A = arith.index_cast %mul3A_138 : i32 to index
      %swap3A_139 = tpu.vector_load %arg7[%swap3A] {strides = array<i32>} : memref<640xf32, #tpu.memory_space<vmem>>, vector<16xf32>,
      tpu.vector_store %arg7[%swap3A], %add3A_136 {strides = array<i32>} : memref<640xf32, #tpu.memory_space<vmem>>, vector<16xf32>,
    }
    %scan3A_19 = arith.constant 40 : i32
    %mul3A_20 = arith.constant 640 : i32
    %mul3A_21 = arith.muli %arg1, %mul3A_20 : i32
    "tpu.region"() ({
      %run_scoped3A = tpu.sem_alloc : memref<!tpu.dma_semaphore, #tpu.memory_space<semaphore_mem>>
      %dma_start3A = tpu.memref_slice %arg3[%arg0, %mul3A_21] : memref<2x10240xf32, #tpu.memory_space<hbm>> -> memref<1x640xf32, #tpu.memory_space<hbm>>
      %dma_start3A_22 = tpu.memref_squeeze %dma_start3A : memref<1x640xf32, #tpu.memory_space<hbm>> -> memref<640xf32, #tpu.memory_space<hbm>>
      %dma_start3A_23 = tpu.memref_slice %arg3[%arg0, %mul3A_21] : memref<2x10240xf32, #tpu.memory_space<hbm>> -> memref<1x640xf32, #tpu.memory_space<hbm>>
      %dma_start3A_24 = tpu.memref_squeeze %dma_start3A_23 : memref<1x640xf32, #tpu.memory_space<hbm>> -> memref<640xf32, #tpu.memory_space<hbm>>
      tpu.enqueue_dma source(%arg7 : memref<640xf32, #tpu.memory_space<vmem>>) target(%dma_start3A_24 : memref<640xf32, #tpu.memory_space<hbm>>) target_semaphore(%run_scoped3A : memref<!tpu.dma_semaphore, #tpu.memory_space<semaphore_mem>>)
      %dma_wait3A = tpu.memref_slice %arg3[%arg0, %mul3A_21] : memref<2x10240xf32, #tpu.memory_space<hbm>> -> memref<1x640xf32, #tpu.memory_space<hbm>>
      %dma_wait3A_25 = tpu.memref_squeeze %dma_wait3A : memref<1x640xf32, #tpu.memory_space<hbm>> -> memref<640xf32, #tpu.memory_space<hbm>>
      %dma_wait3A_26 = tpu.memref_slice %arg3[%arg0, %mul3A_21] : memref<2x10240xf32, #tpu.memory_space<hbm>> -> memref<1x640xf32, #tpu.memory_space<hbm>>
      %dma_wait3A_27 = tpu.memref_squeeze %dma_wait3A_26 : memref<1x640xf32, #tpu.memory_space<hbm>> -> memref<640xf32, #tpu.memory_space<hbm>>
      tpu.wait_dma2 semaphore(%run_scoped3A : memref<!tpu.dma_semaphore, #tpu.memory_space<semaphore_mem>>) src(%arg7 : memref<640xf32, #tpu.memory_space<vmem>>) dst(%dma_wait3A_27 : memref<640xf32, #tpu.memory_space<hbm>>)
      tpu.yield
    }) : () -> ()
    return
  }
}

#map = affine_map<(d0, d1) -> (0, 0)>
#map1 = affine_map<(d0, d1) -> (0, 0, 0)>
module attributes {stable_mosaic.version = 14 : i64} {
  func.func @_segsum_kernel(%arg0: i32, %arg1: i32, %arg2: memref<20000x128xf32, #tpu.memory_space<hbm>>, %arg3: memref<16x10000xi32, #tpu.memory_space<hbm>>, %arg4: memref<640x128xf32, #tpu.memory_space<hbm>>, %arg5: memref<2x10240x128xf32, #tpu.memory_space<hbm>>, %arg6: memref<10000xi32, #tpu.memory_space<vmem>>, %arg7: memref<80xi32, #tpu.memory_space<vmem>>, %arg8: memref<80xi32, #tpu.memory_space<vmem>>, %arg9: memref<80xi32, #tpu.memory_space<vmem>>, %arg10: memref<80xi32, #tpu.memory_space<vmem>>, %arg11: memref<80xi32, #tpu.memory_space<vmem>>, %arg12: memref<80xi32, #tpu.memory_space<vmem>>, %arg13: memref<3x80x128xf32, #tpu.memory_space<vmem>>, %arg14: memref<10240x128xf32, #tpu.memory_space<vmem_shared>>, %arg15: memref<!tpu.dma_semaphore, #tpu.memory_space<semaphore_mem>>, %arg16: memref<!tpu.dma_semaphore, #tpu.memory_space<semaphore_mem>>, %arg17: memref<!tpu.dma_semaphore, #tpu.memory_space<semaphore_mem>>) attributes {dimension_semantics = [#tpu.dimension_semantics<core_parallel>, #tpu.dimension_semantics<subcore_parallel>], iteration_bounds = array<i64: 2, 16>, scalar_prefetch = 0 : i64, scratch_operands = 12 : i64, tpu.core_type = #tpu.core_type<sc_vector_subcore>, window_params = [{transform_indices = #map}, {transform_indices = #map}, {transform_indices = #map}, {transform_indices = #map1}]} {
    %mul3A = arith.constant 640 : i32
    %mul3A_0 = arith.muli %arg1, %mul3A : i32
    %mul3A_1 = arith.constant 10000 : i32
    %mul3A_2 = arith.muli %arg0, %mul3A_1 : i32
    "tpu.region"() ({
      %run_scoped3A = tpu.sem_alloc : memref<!tpu.dma_semaphore, #tpu.memory_space<semaphore_mem>>
      %dma_start3A_46 = arith.constant 0 : i32
      %dma_start3A_47 = tpu.memref_slice %arg14[%mul3A_0, %dma_start3A_46] : memref<10240x128xf32, #tpu.memory_space<vmem_shared>> -> memref<640x128xf32, #tpu.memory_space<vmem_shared>>
      tpu.enqueue_dma source(%arg4 : memref<640x128xf32, #tpu.memory_space<hbm>>) target(%dma_start3A_47 : memref<640x128xf32, #tpu.memory_space<vmem_shared>>) target_semaphore(%run_scoped3A : memref<!tpu.dma_semaphore, #tpu.memory_space<semaphore_mem>>)
      %dma_wait3A = arith.constant 0 : i32
      %dma_wait3A_48 = tpu.memref_slice %arg14[%mul3A_0, %dma_wait3A] : memref<10240x128xf32, #tpu.memory_space<vmem_shared>> -> memref<640x128xf32, #tpu.memory_space<vmem_shared>>
      tpu.wait_dma2 semaphore(%run_scoped3A : memref<!tpu.dma_semaphore, #tpu.memory_space<semaphore_mem>>) src(%arg4 : memref<640x128xf32, #tpu.memory_space<hbm>>) dst(%dma_wait3A_48 : memref<640x128xf32, #tpu.memory_space<vmem_shared>>)
      tpu.yield
    }) : () -> ()
    "tpu.region"() ({
      %run_scoped3A = tpu.sem_alloc : memref<!tpu.dma_semaphore, #tpu.memory_space<semaphore_mem>>
      %dma_start3A_46 = arith.constant 0 : i32
      %dma_start3A_47 = tpu.memref_slice %arg3[%arg1, %dma_start3A_46] : memref<16x10000xi32, #tpu.memory_space<hbm>> -> memref<1x10000xi32, #tpu.memory_space<hbm>>
      %dma_start3A_48 = tpu.memref_squeeze %dma_start3A_47 : memref<1x10000xi32, #tpu.memory_space<hbm>> -> memref<10000xi32, #tpu.memory_space<hbm>>
      %dma_start3A_49 = arith.constant 0 : i32
      %dma_start3A_50 = tpu.memref_slice %arg3[%arg1, %dma_start3A_49] : memref<16x10000xi32, #tpu.memory_space<hbm>> -> memref<1x10000xi32, #tpu.memory_space<hbm>>
      %dma_start3A_51 = tpu.memref_squeeze %dma_start3A_50 : memref<1x10000xi32, #tpu.memory_space<hbm>> -> memref<10000xi32, #tpu.memory_space<hbm>>
      tpu.enqueue_dma source(%dma_start3A_51 : memref<10000xi32, #tpu.memory_space<hbm>>) target(%arg6 : memref<10000xi32, #tpu.memory_space<vmem>>) target_semaphore(%run_scoped3A : memref<!tpu.dma_semaphore, #tpu.memory_space<semaphore_mem>>)
      %dma_wait3A = arith.constant 0 : i32
      %dma_wait3A_52 = tpu.memref_slice %arg3[%arg1, %dma_wait3A] : memref<16x10000xi32, #tpu.memory_space<hbm>> -> memref<1x10000xi32, #tpu.memory_space<hbm>>
      %dma_wait3A_53 = tpu.memref_squeeze %dma_wait3A_52 : memref<1x10000xi32, #tpu.memory_space<hbm>> -> memref<10000xi32, #tpu.memory_space<hbm>>
      %dma_wait3A_54 = arith.constant 0 : i32
      %dma_wait3A_55 = tpu.memref_slice %arg3[%arg1, %dma_wait3A_54] : memref<16x10000xi32, #tpu.memory_space<hbm>> -> memref<1x10000xi32, #tpu.memory_space<hbm>>
      %dma_wait3A_56 = tpu.memref_squeeze %dma_wait3A_55 : memref<1x10000xi32, #tpu.memory_space<hbm>> -> memref<10000xi32, #tpu.memory_space<hbm>>
      tpu.wait_dma2 semaphore(%run_scoped3A : memref<!tpu.dma_semaphore, #tpu.memory_space<semaphore_mem>>) src(%dma_wait3A_56 : memref<10000xi32, #tpu.memory_space<hbm>>) dst(%arg6 : memref<10000xi32, #tpu.memory_space<vmem>>)
      tpu.yield
    }) : () -> ()
    %barrier3A = arith.constant 0 : index
    tpu.barrier barrier_id(%barrier3A)
    %scan3A = arith.constant 0 : i32
    %scan3A_3 = arith.constant 5 : i32
    %scan3A_4 = arith.addi %scan3A, %scan3A_3 : i32
    %scan3A_5 = arith.constant 1 : i32
    scf.for %scan3A_46 = %scan3A to %scan3A_4 step %scan3A_5  : i32 {
      %mul3A_47 = arith.constant 1 : i32
      %mul3A_48 = arith.muli %scan3A_46, %mul3A_47 : i32
      %add3A = arith.constant 0 : i32
      %add3A_49 = arith.addi %add3A, %mul3A_48 : i32
      %mul3A_50 = arith.constant 16 : i32
      %mul3A_51 = arith.muli %add3A_49, %mul3A_50 : i32
      %add3A_52 = arith.constant 0 : i32
      %add3A_53 = arith.addi %add3A_52, %mul3A_51 : i32
      %get3A = arith.index_cast %add3A_53 : i32 to index
      %get3A_54 = tpu.vector_load %arg6[%get3A] {strides = array<i32>} : memref<10000xi32, #tpu.memory_space<vmem>>, vector<16xi32>,
      %and3A = arith.constant 65535 : i32
      %and3A_55 = vector.broadcast %and3A : i32 to vector<16xi32>
      %and3A_56 = arith.andi %get3A_54, %and3A_55 : vector<16xi32>
      %add3A_57 = vector.broadcast %mul3A_2 : i32 to vector<16xi32>
      %add3A_58 = arith.addi %and3A_56, %add3A_57 : vector<16xi32>
      %mul3A_59 = arith.constant 16 : i32
      %mul3A_60 = arith.muli %add3A_49, %mul3A_59 : i32
      %swap3A = arith.index_cast %mul3A_60 : i32 to index
      %swap3A_61 = tpu.vector_load %arg7[%swap3A] {strides = array<i32>} : memref<80xi32, #tpu.memory_space<vmem>>, vector<16xi32>,
      tpu.vector_store %arg7[%swap3A], %add3A_58 {strides = array<i32>} : memref<80xi32, #tpu.memory_space<vmem>>, vector<16xi32>,
      %shift_right_logical3A = arith.constant 16 : i32
      %shift_right_logical3A_62 = vector.broadcast %shift_right_logical3A : i32 to vector<16xi32>
      %shift_right_logical3A_63 = arith.shrui %get3A_54, %shift_right_logical3A_62 : vector<16xi32>
      %mul3A_64 = arith.constant 16 : i32
      %mul3A_65 = arith.muli %add3A_49, %mul3A_64 : i32
      %swap3A_66 = arith.index_cast %mul3A_65 : i32 to index
      %swap3A_67 = tpu.vector_load %arg10[%swap3A_66] {strides = array<i32>} : memref<80xi32, #tpu.memory_space<vmem>>, vector<16xi32>,
      tpu.vector_store %arg10[%swap3A_66], %shift_right_logical3A_63 {strides = array<i32>} : memref<80xi32, #tpu.memory_space<vmem>>, vector<16xi32>,
    }
    %scan3A_6 = arith.constant 5 : i32
    %dma_start3A = arith.constant 0 : i32
    %dma_start3A_7 = arith.constant 0 : i32
    %dma_start3A_8 = arith.constant 0 : i32
    %dma_start3A_9 = tpu.memref_slice %arg13[%dma_start3A, %dma_start3A_7, %dma_start3A_8] : memref<3x80x128xf32, #tpu.memory_space<vmem>> -> memref<1x80x128xf32, #tpu.memory_space<vmem>>
    %dma_start3A_10 = tpu.memref_squeeze %dma_start3A_9 : memref<1x80x128xf32, #tpu.memory_space<vmem>> -> memref<80x128xf32, #tpu.memory_space<vmem>>
    %dma_start3A_11 = arith.constant 0 : i32
    %dma_start3A_12 = arith.constant 0 : i32
    %dma_start3A_13 = tpu.memref_slice %arg2[%dma_start3A_11, %dma_start3A_12] : memref<20000x128xf32, #tpu.memory_space<hbm>> -> memref<20000x128xf32, #tpu.memory_space<hbm>>
    tpu.enqueue_indirect_dma source(%dma_start3A_13 : memref<20000x128xf32, #tpu.memory_space<hbm>>) target(%dma_start3A_10 : memref<80x128xf32, #tpu.memory_space<vmem>>) offsets(%arg7 : memref<80xi32, #tpu.memory_space<vmem>>) semaphore(%arg15 : memref<!tpu.dma_semaphore, #tpu.memory_space<semaphore_mem>>)
    %scan3A_14 = arith.constant 0 : i32
    %scan3A_15 = arith.constant 5 : i32
    %scan3A_16 = arith.addi %scan3A_14, %scan3A_15 : i32
    %scan3A_17 = arith.constant 1 : i32
    scf.for %scan3A_46 = %scan3A_14 to %scan3A_16 step %scan3A_17  : i32 {
      %mul3A_47 = arith.constant 1 : i32
      %mul3A_48 = arith.muli %scan3A_46, %mul3A_47 : i32
      %add3A = arith.constant 0 : i32
      %add3A_49 = arith.addi %add3A, %mul3A_48 : i32
      %mul3A_50 = arith.constant 16 : i32
      %mul3A_51 = arith.muli %add3A_49, %mul3A_50 : i32
      %add3A_52 = arith.constant 80 : i32
      %add3A_53 = arith.addi %add3A_52, %mul3A_51 : i32
      %get3A = arith.index_cast %add3A_53 : i32 to index
      %get3A_54 = tpu.vector_load %arg6[%get3A] {strides = array<i32>} : memref<10000xi32, #tpu.memory_space<vmem>>, vector<16xi32>,
      %and3A = arith.constant 65535 : i32
      %and3A_55 = vector.broadcast %and3A : i32 to vector<16xi32>
      %and3A_56 = arith.andi %get3A_54, %and3A_55 : vector<16xi32>
      %add3A_57 = vector.broadcast %mul3A_2 : i32 to vector<16xi32>
      %add3A_58 = arith.addi %and3A_56, %add3A_57 : vector<16xi32>
      %mul3A_59 = arith.constant 16 : i32
      %mul3A_60 = arith.muli %add3A_49, %mul3A_59 : i32
      %swap3A = arith.index_cast %mul3A_60 : i32 to index
      %swap3A_61 = tpu.vector_load %arg8[%swap3A] {strides = array<i32>} : memref<80xi32, #tpu.memory_space<vmem>>, vector<16xi32>,
      tpu.vector_store %arg8[%swap3A], %add3A_58 {strides = array<i32>} : memref<80xi32, #tpu.memory_space<vmem>>, vector<16xi32>,
      %shift_right_logical3A = arith.constant 16 : i32
      %shift_right_logical3A_62 = vector.broadcast %shift_right_logical3A : i32 to vector<16xi32>
      %shift_right_logical3A_63 = arith.shrui %get3A_54, %shift_right_logical3A_62 : vector<16xi32>
      %mul3A_64 = arith.constant 16 : i32
      %mul3A_65 = arith.muli %add3A_49, %mul3A_64 : i32
      %swap3A_66 = arith.index_cast %mul3A_65 : i32 to index
      %swap3A_67 = tpu.vector_load %arg11[%swap3A_66] {strides = array<i32>} : memref<80xi32, #tpu.memory_space<vmem>>, vector<16xi32>,
      tpu.vector_store %arg11[%swap3A_66], %shift_right_logical3A_63 {strides = array<i32>} : memref<80xi32, #tpu.memory_space<vmem>>, vector<16xi32>,
    }
    %scan3A_18 = arith.constant 5 : i32
    %dma_start3A_19 = arith.constant 1 : i32
    %dma_start3A_20 = arith.constant 0 : i32
    %dma_start3A_21 = arith.constant 0 : i32
    %dma_start3A_22 = tpu.memref_slice %arg13[%dma_start3A_19, %dma_start3A_20, %dma_start3A_21] : memref<3x80x128xf32, #tpu.memory_space<vmem>> -> memref<1x80x128xf32, #tpu.memory_space<vmem>>
    %dma_start3A_23 = tpu.memref_squeeze %dma_start3A_22 : memref<1x80x128xf32, #tpu.memory_space<vmem>> -> memref<80x128xf32, #tpu.memory_space<vmem>>
    %dma_start3A_24 = arith.constant 0 : i32
    %dma_start3A_25 = arith.constant 0 : i32
    %dma_start3A_26 = tpu.memref_slice %arg2[%dma_start3A_24, %dma_start3A_25] : memref<20000x128xf32, #tpu.memory_space<hbm>> -> memref<20000x128xf32, #tpu.memory_space<hbm>>
    tpu.enqueue_indirect_dma source(%dma_start3A_26 : memref<20000x128xf32, #tpu.memory_space<hbm>>) target(%dma_start3A_23 : memref<80x128xf32, #tpu.memory_space<vmem>>) offsets(%arg8 : memref<80xi32, #tpu.memory_space<vmem>>) semaphore(%arg16 : memref<!tpu.dma_semaphore, #tpu.memory_space<semaphore_mem>>)
    %scan3A_27 = arith.constant 0 : i32
    %scan3A_28 = arith.constant 5 : i32
    %scan3A_29 = arith.addi %scan3A_27, %scan3A_28 : i32
    %scan3A_30 = arith.constant 1 : i32
    scf.for %scan3A_46 = %scan3A_27 to %scan3A_29 step %scan3A_30  : i32 {
      %mul3A_47 = arith.constant 1 : i32
      %mul3A_48 = arith.muli %scan3A_46, %mul3A_47 : i32
      %add3A = arith.constant 0 : i32
      %add3A_49 = arith.addi %add3A, %mul3A_48 : i32
      %mul3A_50 = arith.constant 16 : i32
      %mul3A_51 = arith.muli %add3A_49, %mul3A_50 : i32
      %add3A_52 = arith.constant 160 : i32
      %add3A_53 = arith.addi %add3A_52, %mul3A_51 : i32
      %get3A = arith.index_cast %add3A_53 : i32 to index
      %get3A_54 = tpu.vector_load %arg6[%get3A] {strides = array<i32>} : memref<10000xi32, #tpu.memory_space<vmem>>, vector<16xi32>,
      %and3A = arith.constant 65535 : i32
      %and3A_55 = vector.broadcast %and3A : i32 to vector<16xi32>
      %and3A_56 = arith.andi %get3A_54, %and3A_55 : vector<16xi32>
      %add3A_57 = vector.broadcast %mul3A_2 : i32 to vector<16xi32>
      %add3A_58 = arith.addi %and3A_56, %add3A_57 : vector<16xi32>
      %mul3A_59 = arith.constant 16 : i32
      %mul3A_60 = arith.muli %add3A_49, %mul3A_59 : i32
      %swap3A = arith.index_cast %mul3A_60 : i32 to index
      %swap3A_61 = tpu.vector_load %arg9[%swap3A] {strides = array<i32>} : memref<80xi32, #tpu.memory_space<vmem>>, vector<16xi32>,
      tpu.vector_store %arg9[%swap3A], %add3A_58 {strides = array<i32>} : memref<80xi32, #tpu.memory_space<vmem>>, vector<16xi32>,
      %shift_right_logical3A = arith.constant 16 : i32
      %shift_right_logical3A_62 = vector.broadcast %shift_right_logical3A : i32 to vector<16xi32>
      %shift_right_logical3A_63 = arith.shrui %get3A_54, %shift_right_logical3A_62 : vector<16xi32>
      %mul3A_64 = arith.constant 16 : i32
      %mul3A_65 = arith.muli %add3A_49, %mul3A_64 : i32
      %swap3A_66 = arith.index_cast %mul3A_65 : i32 to index
      %swap3A_67 = tpu.vector_load %arg12[%swap3A_66] {strides = array<i32>} : memref<80xi32, #tpu.memory_space<vmem>>, vector<16xi32>,
      tpu.vector_store %arg12[%swap3A_66], %shift_right_logical3A_63 {strides = array<i32>} : memref<80xi32, #tpu.memory_space<vmem>>, vector<16xi32>,
    }
    %scan3A_31 = arith.constant 5 : i32
    %dma_start3A_32 = arith.constant 2 : i32
    %dma_start3A_33 = arith.constant 0 : i32
    %dma_start3A_34 = arith.constant 0 : i32
    %dma_start3A_35 = tpu.memref_slice %arg13[%dma_start3A_32, %dma_start3A_33, %dma_start3A_34] : memref<3x80x128xf32, #tpu.memory_space<vmem>> -> memref<1x80x128xf32, #tpu.memory_space<vmem>>
    %dma_start3A_36 = tpu.memref_squeeze %dma_start3A_35 : memref<1x80x128xf32, #tpu.memory_space<vmem>> -> memref<80x128xf32, #tpu.memory_space<vmem>>
    %dma_start3A_37 = arith.constant 0 : i32
    %dma_start3A_38 = arith.constant 0 : i32
    %dma_start3A_39 = tpu.memref_slice %arg2[%dma_start3A_37, %dma_start3A_38] : memref<20000x128xf32, #tpu.memory_space<hbm>> -> memref<20000x128xf32, #tpu.memory_space<hbm>>
    tpu.enqueue_indirect_dma source(%dma_start3A_39 : memref<20000x128xf32, #tpu.memory_space<hbm>>) target(%dma_start3A_36 : memref<80x128xf32, #tpu.memory_space<vmem>>) offsets(%arg9 : memref<80xi32, #tpu.memory_space<vmem>>) semaphore(%arg17 : memref<!tpu.dma_semaphore, #tpu.memory_space<semaphore_mem>>)
    %scan3A_40 = arith.constant 0 : i32
    %scan3A_41 = arith.constant 42 : i32
    %scan3A_42 = arith.addi %scan3A_40, %scan3A_41 : i32
    %scan3A_43 = arith.constant 1 : i32
    scf.for %scan3A_46 = %scan3A_40 to %scan3A_42 step %scan3A_43  : i32 {
      %mul3A_47 = arith.constant 3 : i32
      %mul3A_48 = arith.muli %scan3A_46, %mul3A_47 : i32
      %add3A = arith.constant 0 : i32
      %add3A_49 = arith.addi %add3A, %mul3A_48 : i32
      %add3A_50 = arith.constant 0 : i32
      %add3A_51 = arith.addi %add3A_49, %add3A_50 : i32
      %lt3A = arith.constant 125 : i32
      %lt3A_52 = arith.cmpi slt, %add3A_51, %lt3A : i32
      %convert_element_type3A = arith.extui %lt3A_52 : i1 to i32
      %cond3A = arith.constant 0 : i32
      %cond3A_53 = arith.cmpi ne, %convert_element_type3A, %cond3A : i32
      scf.if %cond3A_53 {
        %dma_wait3A = arith.constant 0 : i32
        %dma_wait3A_68 = arith.constant 0 : i32
        %dma_wait3A_69 = arith.constant 0 : i32
        %dma_wait3A_70 = tpu.memref_slice %arg13[%dma_wait3A, %dma_wait3A_68, %dma_wait3A_69] : memref<3x80x128xf32, #tpu.memory_space<vmem>> -> memref<1x80x128xf32, #tpu.memory_space<vmem>>
        %dma_wait3A_71 = tpu.memref_squeeze %dma_wait3A_70 : memref<1x80x128xf32, #tpu.memory_space<vmem>> -> memref<80x128xf32, #tpu.memory_space<vmem>>
        %dma_wait3A_72 = arith.constant 0 : i32
        %dma_wait3A_73 = arith.constant 0 : i32
        %dma_wait3A_74 = tpu.memref_slice %arg2[%dma_wait3A_72, %dma_wait3A_73] : memref<20000x128xf32, #tpu.memory_space<hbm>> -> memref<20000x128xf32, #tpu.memory_space<hbm>>
        tpu.wait_indirect_dma semaphore(%arg15 : memref<!tpu.dma_semaphore, #tpu.memory_space<semaphore_mem>>) src(%dma_wait3A_74 : memref<20000x128xf32, #tpu.memory_space<hbm>>) dst(%dma_wait3A_71 : memref<80x128xf32, #tpu.memory_space<vmem>>)
        %run_scoped3A = arith.constant 0 : i32
        "tpu.region"() ({
          %run_scoped3A_82 = tpu.sem_alloc : memref<!tpu.dma_semaphore, #tpu.memory_space<semaphore_mem>>
          %dma_start3A_83 = arith.constant 0 : i32
          %dma_start3A_84 = arith.constant 0 : i32
          %dma_start3A_85 = tpu.memref_slice %arg13[%run_scoped3A, %dma_start3A_83, %dma_start3A_84] : memref<3x80x128xf32, #tpu.memory_space<vmem>> -> memref<1x80x128xf32, #tpu.memory_space<vmem>>
          %dma_start3A_86 = tpu.memref_squeeze %dma_start3A_85 : memref<1x80x128xf32, #tpu.memory_space<vmem>> -> memref<80x128xf32, #tpu.memory_space<vmem>>
          %dma_start3A_87 = arith.constant 0 : i32
          %dma_start3A_88 = arith.constant 0 : i32
          %dma_start3A_89 = tpu.memref_slice %arg14[%dma_start3A_87, %dma_start3A_88] : memref<10240x128xf32, #tpu.memory_space<vmem_shared>> -> memref<10240x128xf32, #tpu.memory_space<vmem_shared>>
          tpu.enqueue_indirect_dma source(%dma_start3A_86 : memref<80x128xf32, #tpu.memory_space<vmem>>) target(%dma_start3A_89 : memref<10240x128xf32, #tpu.memory_space<vmem_shared>>) offsets(%arg10 : memref<80xi32, #tpu.memory_space<vmem>>) semaphore(%run_scoped3A_82 : memref<!tpu.dma_semaphore, #tpu.memory_space<semaphore_mem>>) {add = true}
          %dma_wait3A_90 = arith.constant 0 : i32
          %dma_wait3A_91 = arith.constant 0 : i32
          %dma_wait3A_92 = tpu.memref_slice %arg13[%run_scoped3A, %dma_wait3A_90, %dma_wait3A_91] : memref<3x80x128xf32, #tpu.memory_space<vmem>> -> memref<1x80x128xf32, #tpu.memory_space<vmem>>
          %dma_wait3A_93 = tpu.memref_squeeze %dma_wait3A_92 : memref<1x80x128xf32, #tpu.memory_space<vmem>> -> memref<80x128xf32, #tpu.memory_space<vmem>>
          %dma_wait3A_94 = arith.constant 0 : i32
          %dma_wait3A_95 = arith.constant 0 : i32
          %dma_wait3A_96 = tpu.memref_slice %arg14[%dma_wait3A_94, %dma_wait3A_95] : memref<10240x128xf32, #tpu.memory_space<vmem_shared>> -> memref<10240x128xf32, #tpu.memory_space<vmem_shared>>
          tpu.wait_indirect_dma semaphore(%run_scoped3A_82 : memref<!tpu.dma_semaphore, #tpu.memory_space<semaphore_mem>>) src(%dma_wait3A_93 : memref<80x128xf32, #tpu.memory_space<vmem>>) dst(%dma_wait3A_96 : memref<10240x128xf32, #tpu.memory_space<vmem_shared>>)
          tpu.yield
        }) : () -> ()
        %add3A_75 = arith.constant 3 : i32
        %add3A_76 = arith.addi %add3A_51, %add3A_75 : i32
        %lt3A_77 = arith.constant 125 : i32
        %lt3A_78 = arith.cmpi slt, %add3A_76, %lt3A_77 : i32
        %convert_element_type3A_79 = arith.extui %lt3A_78 : i1 to i32
        %cond3A_80 = arith.constant 0 : i32
        %cond3A_81 = arith.cmpi ne, %convert_element_type3A_79, %cond3A_80 : i32
        scf.if %cond3A_81 {
          %scan3A_82 = arith.constant 0 : i32
          %scan3A_83 = arith.constant 5 : i32
          %scan3A_84 = arith.addi %scan3A_82, %scan3A_83 : i32
          %scan3A_85 = arith.constant 1 : i32
          scf.for %scan3A_95 = %scan3A_82 to %scan3A_84 step %scan3A_85  : i32 {
            %mul3A_96 = arith.constant 1 : i32
            %mul3A_97 = arith.muli %scan3A_95, %mul3A_96 : i32
            %add3A_98 = arith.constant 0 : i32
            %add3A_99 = arith.addi %add3A_98, %mul3A_97 : i32
            %mul3A_100 = arith.constant 80 : i32
            %mul3A_101 = arith.muli %add3A_76, %mul3A_100 : i32
            %mul3A_102 = arith.constant 16 : i32
            %mul3A_103 = arith.muli %add3A_99, %mul3A_102 : i32
            %add3A_104 = arith.addi %mul3A_101, %mul3A_103 : i32
            %get3A = arith.index_cast %add3A_104 : i32 to index
            %get3A_105 = tpu.vector_load %arg6[%get3A] {strides = array<i32>} : memref<10000xi32, #tpu.memory_space<vmem>>, vector<16xi32>,
            %and3A = arith.constant 65535 : i32
            %and3A_106 = vector.broadcast %and3A : i32 to vector<16xi32>
            %and3A_107 = arith.andi %get3A_105, %and3A_106 : vector<16xi32>
            %add3A_108 = vector.broadcast %mul3A_2 : i32 to vector<16xi32>
            %add3A_109 = arith.addi %and3A_107, %add3A_108 : vector<16xi32>
            %mul3A_110 = arith.constant 16 : i32
            %mul3A_111 = arith.muli %add3A_99, %mul3A_110 : i32
            %swap3A = arith.index_cast %mul3A_111 : i32 to index
            %swap3A_112 = tpu.vector_load %arg7[%swap3A] {strides = array<i32>} : memref<80xi32, #tpu.memory_space<vmem>>, vector<16xi32>,
            tpu.vector_store %arg7[%swap3A], %add3A_109 {strides = array<i32>} : memref<80xi32, #tpu.memory_space<vmem>>, vector<16xi32>,
            %shift_right_logical3A = arith.constant 16 : i32
            %shift_right_logical3A_113 = vector.broadcast %shift_right_logical3A : i32 to vector<16xi32>
            %shift_right_logical3A_114 = arith.shrui %get3A_105, %shift_right_logical3A_113 : vector<16xi32>
            %mul3A_115 = arith.constant 16 : i32
            %mul3A_116 = arith.muli %add3A_99, %mul3A_115 : i32
            %swap3A_117 = arith.index_cast %mul3A_116 : i32 to index
            %swap3A_118 = tpu.vector_load %arg10[%swap3A_117] {strides = array<i32>} : memref<80xi32, #tpu.memory_space<vmem>>, vector<16xi32>,
            tpu.vector_store %arg10[%swap3A_117], %shift_right_logical3A_114 {strides = array<i32>} : memref<80xi32, #tpu.memory_space<vmem>>, vector<16xi32>,
          }
          %scan3A_86 = arith.constant 5 : i32
          %dma_start3A_87 = arith.constant 0 : i32
          %dma_start3A_88 = arith.constant 0 : i32
          %dma_start3A_89 = arith.constant 0 : i32
          %dma_start3A_90 = tpu.memref_slice %arg13[%dma_start3A_87, %dma_start3A_88, %dma_start3A_89] : memref<3x80x128xf32, #tpu.memory_space<vmem>> -> memref<1x80x128xf32, #tpu.memory_space<vmem>>
          %dma_start3A_91 = tpu.memref_squeeze %dma_start3A_90 : memref<1x80x128xf32, #tpu.memory_space<vmem>> -> memref<80x128xf32, #tpu.memory_space<vmem>>
          %dma_start3A_92 = arith.constant 0 : i32
          %dma_start3A_93 = arith.constant 0 : i32
          %dma_start3A_94 = tpu.memref_slice %arg2[%dma_start3A_92, %dma_start3A_93] : memref<20000x128xf32, #tpu.memory_space<hbm>> -> memref<20000x128xf32, #tpu.memory_space<hbm>>
          tpu.enqueue_indirect_dma source(%dma_start3A_94 : memref<20000x128xf32, #tpu.memory_space<hbm>>) target(%dma_start3A_91 : memref<80x128xf32, #tpu.memory_space<vmem>>) offsets(%arg7 : memref<80xi32, #tpu.memory_space<vmem>>) semaphore(%arg15 : memref<!tpu.dma_semaphore, #tpu.memory_space<semaphore_mem>>)
        } else {
        }
      } else {
      }
      %add3A_54 = arith.constant 1 : i32
      %add3A_55 = arith.addi %add3A_49, %add3A_54 : i32
      %lt3A_56 = arith.constant 125 : i32
      %lt3A_57 = arith.cmpi slt, %add3A_55, %lt3A_56 : i32
      %convert_element_type3A_58 = arith.extui %lt3A_57 : i1 to i32
      %cond3A_59 = arith.constant 0 : i32
      %cond3A_60 = arith.cmpi ne, %convert_element_type3A_58, %cond3A_59 : i32
      scf.if %cond3A_60 {
        %dma_wait3A = arith.constant 1 : i32
        %dma_wait3A_68 = arith.constant 0 : i32
        %dma_wait3A_69 = arith.constant 0 : i32
        %dma_wait3A_70 = tpu.memref_slice %arg13[%dma_wait3A, %dma_wait3A_68, %dma_wait3A_69] : memref<3x80x128xf32, #tpu.memory_space<vmem>> -> memref<1x80x128xf32, #tpu.memory_space<vmem>>
        %dma_wait3A_71 = tpu.memref_squeeze %dma_wait3A_70 : memref<1x80x128xf32, #tpu.memory_space<vmem>> -> memref<80x128xf32, #tpu.memory_space<vmem>>
        %dma_wait3A_72 = arith.constant 0 : i32
        %dma_wait3A_73 = arith.constant 0 : i32
        %dma_wait3A_74 = tpu.memref_slice %arg2[%dma_wait3A_72, %dma_wait3A_73] : memref<20000x128xf32, #tpu.memory_space<hbm>> -> memref<20000x128xf32, #tpu.memory_space<hbm>>
        tpu.wait_indirect_dma semaphore(%arg16 : memref<!tpu.dma_semaphore, #tpu.memory_space<semaphore_mem>>) src(%dma_wait3A_74 : memref<20000x128xf32, #tpu.memory_space<hbm>>) dst(%dma_wait3A_71 : memref<80x128xf32, #tpu.memory_space<vmem>>)
        %run_scoped3A = arith.constant 1 : i32
        "tpu.region"() ({
          %run_scoped3A_82 = tpu.sem_alloc : memref<!tpu.dma_semaphore, #tpu.memory_space<semaphore_mem>>
          %dma_start3A_83 = arith.constant 0 : i32
          %dma_start3A_84 = arith.constant 0 : i32
          %dma_start3A_85 = tpu.memref_slice %arg13[%run_scoped3A, %dma_start3A_83, %dma_start3A_84] : memref<3x80x128xf32, #tpu.memory_space<vmem>> -> memref<1x80x128xf32, #tpu.memory_space<vmem>>
          %dma_start3A_86 = tpu.memref_squeeze %dma_start3A_85 : memref<1x80x128xf32, #tpu.memory_space<vmem>> -> memref<80x128xf32, #tpu.memory_space<vmem>>
          %dma_start3A_87 = arith.constant 0 : i32
          %dma_start3A_88 = arith.constant 0 : i32
          %dma_start3A_89 = tpu.memref_slice %arg14[%dma_start3A_87, %dma_start3A_88] : memref<10240x128xf32, #tpu.memory_space<vmem_shared>> -> memref<10240x128xf32, #tpu.memory_space<vmem_shared>>
          tpu.enqueue_indirect_dma source(%dma_start3A_86 : memref<80x128xf32, #tpu.memory_space<vmem>>) target(%dma_start3A_89 : memref<10240x128xf32, #tpu.memory_space<vmem_shared>>) offsets(%arg11 : memref<80xi32, #tpu.memory_space<vmem>>) semaphore(%run_scoped3A_82 : memref<!tpu.dma_semaphore, #tpu.memory_space<semaphore_mem>>) {add = true}
          %dma_wait3A_90 = arith.constant 0 : i32
          %dma_wait3A_91 = arith.constant 0 : i32
          %dma_wait3A_92 = tpu.memref_slice %arg13[%run_scoped3A, %dma_wait3A_90, %dma_wait3A_91] : memref<3x80x128xf32, #tpu.memory_space<vmem>> -> memref<1x80x128xf32, #tpu.memory_space<vmem>>
          %dma_wait3A_93 = tpu.memref_squeeze %dma_wait3A_92 : memref<1x80x128xf32, #tpu.memory_space<vmem>> -> memref<80x128xf32, #tpu.memory_space<vmem>>
          %dma_wait3A_94 = arith.constant 0 : i32
          %dma_wait3A_95 = arith.constant 0 : i32
          %dma_wait3A_96 = tpu.memref_slice %arg14[%dma_wait3A_94, %dma_wait3A_95] : memref<10240x128xf32, #tpu.memory_space<vmem_shared>> -> memref<10240x128xf32, #tpu.memory_space<vmem_shared>>
          tpu.wait_indirect_dma semaphore(%run_scoped3A_82 : memref<!tpu.dma_semaphore, #tpu.memory_space<semaphore_mem>>) src(%dma_wait3A_93 : memref<80x128xf32, #tpu.memory_space<vmem>>) dst(%dma_wait3A_96 : memref<10240x128xf32, #tpu.memory_space<vmem_shared>>)
          tpu.yield
        }) : () -> ()
        %add3A_75 = arith.constant 3 : i32
        %add3A_76 = arith.addi %add3A_55, %add3A_75 : i32
        %lt3A_77 = arith.constant 125 : i32
        %lt3A_78 = arith.cmpi slt, %add3A_76, %lt3A_77 : i32
        %convert_element_type3A_79 = arith.extui %lt3A_78 : i1 to i32
        %cond3A_80 = arith.constant 0 : i32
        %cond3A_81 = arith.cmpi ne, %convert_element_type3A_79, %cond3A_80 : i32
        scf.if %cond3A_81 {
          %scan3A_82 = arith.constant 0 : i32
          %scan3A_83 = arith.constant 5 : i32
          %scan3A_84 = arith.addi %scan3A_82, %scan3A_83 : i32
          %scan3A_85 = arith.constant 1 : i32
          scf.for %scan3A_95 = %scan3A_82 to %scan3A_84 step %scan3A_85  : i32 {
            %mul3A_96 = arith.constant 1 : i32
            %mul3A_97 = arith.muli %scan3A_95, %mul3A_96 : i32
            %add3A_98 = arith.constant 0 : i32
            %add3A_99 = arith.addi %add3A_98, %mul3A_97 : i32
            %mul3A_100 = arith.constant 80 : i32
            %mul3A_101 = arith.muli %add3A_76, %mul3A_100 : i32
            %mul3A_102 = arith.constant 16 : i32
            %mul3A_103 = arith.muli %add3A_99, %mul3A_102 : i32
            %add3A_104 = arith.addi %mul3A_101, %mul3A_103 : i32
            %get3A = arith.index_cast %add3A_104 : i32 to index
            %get3A_105 = tpu.vector_load %arg6[%get3A] {strides = array<i32>} : memref<10000xi32, #tpu.memory_space<vmem>>, vector<16xi32>,
            %and3A = arith.constant 65535 : i32
            %and3A_106 = vector.broadcast %and3A : i32 to vector<16xi32>
            %and3A_107 = arith.andi %get3A_105, %and3A_106 : vector<16xi32>
            %add3A_108 = vector.broadcast %mul3A_2 : i32 to vector<16xi32>
            %add3A_109 = arith.addi %and3A_107, %add3A_108 : vector<16xi32>
            %mul3A_110 = arith.constant 16 : i32
            %mul3A_111 = arith.muli %add3A_99, %mul3A_110 : i32
            %swap3A = arith.index_cast %mul3A_111 : i32 to index
            %swap3A_112 = tpu.vector_load %arg8[%swap3A] {strides = array<i32>} : memref<80xi32, #tpu.memory_space<vmem>>, vector<16xi32>,
            tpu.vector_store %arg8[%swap3A], %add3A_109 {strides = array<i32>} : memref<80xi32, #tpu.memory_space<vmem>>, vector<16xi32>,
            %shift_right_logical3A = arith.constant 16 : i32
            %shift_right_logical3A_113 = vector.broadcast %shift_right_logical3A : i32 to vector<16xi32>
            %shift_right_logical3A_114 = arith.shrui %get3A_105, %shift_right_logical3A_113 : vector<16xi32>
            %mul3A_115 = arith.constant 16 : i32
            %mul3A_116 = arith.muli %add3A_99, %mul3A_115 : i32
            %swap3A_117 = arith.index_cast %mul3A_116 : i32 to index
            %swap3A_118 = tpu.vector_load %arg11[%swap3A_117] {strides = array<i32>} : memref<80xi32, #tpu.memory_space<vmem>>, vector<16xi32>,
            tpu.vector_store %arg11[%swap3A_117], %shift_right_logical3A_114 {strides = array<i32>} : memref<80xi32, #tpu.memory_space<vmem>>, vector<16xi32>,
          }
          %scan3A_86 = arith.constant 5 : i32
          %dma_start3A_87 = arith.constant 1 : i32
          %dma_start3A_88 = arith.constant 0 : i32
          %dma_start3A_89 = arith.constant 0 : i32
          %dma_start3A_90 = tpu.memref_slice %arg13[%dma_start3A_87, %dma_start3A_88, %dma_start3A_89] : memref<3x80x128xf32, #tpu.memory_space<vmem>> -> memref<1x80x128xf32, #tpu.memory_space<vmem>>
          %dma_start3A_91 = tpu.memref_squeeze %dma_start3A_90 : memref<1x80x128xf32, #tpu.memory_space<vmem>> -> memref<80x128xf32, #tpu.memory_space<vmem>>
          %dma_start3A_92 = arith.constant 0 : i32
          %dma_start3A_93 = arith.constant 0 : i32
          %dma_start3A_94 = tpu.memref_slice %arg2[%dma_start3A_92, %dma_start3A_93] : memref<20000x128xf32, #tpu.memory_space<hbm>> -> memref<20000x128xf32, #tpu.memory_space<hbm>>
          tpu.enqueue_indirect_dma source(%dma_start3A_94 : memref<20000x128xf32, #tpu.memory_space<hbm>>) target(%dma_start3A_91 : memref<80x128xf32, #tpu.memory_space<vmem>>) offsets(%arg8 : memref<80xi32, #tpu.memory_space<vmem>>) semaphore(%arg16 : memref<!tpu.dma_semaphore, #tpu.memory_space<semaphore_mem>>)
        } else {
        }
      } else {
      }
      %add3A_61 = arith.constant 2 : i32
      %add3A_62 = arith.addi %add3A_49, %add3A_61 : i32
      %lt3A_63 = arith.constant 125 : i32
      %lt3A_64 = arith.cmpi slt, %add3A_62, %lt3A_63 : i32
      %convert_element_type3A_65 = arith.extui %lt3A_64 : i1 to i32
      %cond3A_66 = arith.constant 0 : i32
      %cond3A_67 = arith.cmpi ne, %convert_element_type3A_65, %cond3A_66 : i32
      scf.if %cond3A_67 {
        %dma_wait3A = arith.constant 2 : i32
        %dma_wait3A_68 = arith.constant 0 : i32
        %dma_wait3A_69 = arith.constant 0 : i32
        %dma_wait3A_70 = tpu.memref_slice %arg13[%dma_wait3A, %dma_wait3A_68, %dma_wait3A_69] : memref<3x80x128xf32, #tpu.memory_space<vmem>> -> memref<1x80x128xf32, #tpu.memory_space<vmem>>
        %dma_wait3A_71 = tpu.memref_squeeze %dma_wait3A_70 : memref<1x80x128xf32, #tpu.memory_space<vmem>> -> memref<80x128xf32, #tpu.memory_space<vmem>>
        %dma_wait3A_72 = arith.constant 0 : i32
        %dma_wait3A_73 = arith.constant 0 : i32
        %dma_wait3A_74 = tpu.memref_slice %arg2[%dma_wait3A_72, %dma_wait3A_73] : memref<20000x128xf32, #tpu.memory_space<hbm>> -> memref<20000x128xf32, #tpu.memory_space<hbm>>
        tpu.wait_indirect_dma semaphore(%arg17 : memref<!tpu.dma_semaphore, #tpu.memory_space<semaphore_mem>>) src(%dma_wait3A_74 : memref<20000x128xf32, #tpu.memory_space<hbm>>) dst(%dma_wait3A_71 : memref<80x128xf32, #tpu.memory_space<vmem>>)
        %run_scoped3A = arith.constant 2 : i32
        "tpu.region"() ({
          %run_scoped3A_82 = tpu.sem_alloc : memref<!tpu.dma_semaphore, #tpu.memory_space<semaphore_mem>>
          %dma_start3A_83 = arith.constant 0 : i32
          %dma_start3A_84 = arith.constant 0 : i32
          %dma_start3A_85 = tpu.memref_slice %arg13[%run_scoped3A, %dma_start3A_83, %dma_start3A_84] : memref<3x80x128xf32, #tpu.memory_space<vmem>> -> memref<1x80x128xf32, #tpu.memory_space<vmem>>
          %dma_start3A_86 = tpu.memref_squeeze %dma_start3A_85 : memref<1x80x128xf32, #tpu.memory_space<vmem>> -> memref<80x128xf32, #tpu.memory_space<vmem>>
          %dma_start3A_87 = arith.constant 0 : i32
          %dma_start3A_88 = arith.constant 0 : i32
          %dma_start3A_89 = tpu.memref_slice %arg14[%dma_start3A_87, %dma_start3A_88] : memref<10240x128xf32, #tpu.memory_space<vmem_shared>> -> memref<10240x128xf32, #tpu.memory_space<vmem_shared>>
          tpu.enqueue_indirect_dma source(%dma_start3A_86 : memref<80x128xf32, #tpu.memory_space<vmem>>) target(%dma_start3A_89 : memref<10240x128xf32, #tpu.memory_space<vmem_shared>>) offsets(%arg12 : memref<80xi32, #tpu.memory_space<vmem>>) semaphore(%run_scoped3A_82 : memref<!tpu.dma_semaphore, #tpu.memory_space<semaphore_mem>>) {add = true}
          %dma_wait3A_90 = arith.constant 0 : i32
          %dma_wait3A_91 = arith.constant 0 : i32
          %dma_wait3A_92 = tpu.memref_slice %arg13[%run_scoped3A, %dma_wait3A_90, %dma_wait3A_91] : memref<3x80x128xf32, #tpu.memory_space<vmem>> -> memref<1x80x128xf32, #tpu.memory_space<vmem>>
          %dma_wait3A_93 = tpu.memref_squeeze %dma_wait3A_92 : memref<1x80x128xf32, #tpu.memory_space<vmem>> -> memref<80x128xf32, #tpu.memory_space<vmem>>
          %dma_wait3A_94 = arith.constant 0 : i32
          %dma_wait3A_95 = arith.constant 0 : i32
          %dma_wait3A_96 = tpu.memref_slice %arg14[%dma_wait3A_94, %dma_wait3A_95] : memref<10240x128xf32, #tpu.memory_space<vmem_shared>> -> memref<10240x128xf32, #tpu.memory_space<vmem_shared>>
          tpu.wait_indirect_dma semaphore(%run_scoped3A_82 : memref<!tpu.dma_semaphore, #tpu.memory_space<semaphore_mem>>) src(%dma_wait3A_93 : memref<80x128xf32, #tpu.memory_space<vmem>>) dst(%dma_wait3A_96 : memref<10240x128xf32, #tpu.memory_space<vmem_shared>>)
          tpu.yield
        }) : () -> ()
        %add3A_75 = arith.constant 3 : i32
        %add3A_76 = arith.addi %add3A_62, %add3A_75 : i32
        %lt3A_77 = arith.constant 125 : i32
        %lt3A_78 = arith.cmpi slt, %add3A_76, %lt3A_77 : i32
        %convert_element_type3A_79 = arith.extui %lt3A_78 : i1 to i32
        %cond3A_80 = arith.constant 0 : i32
        %cond3A_81 = arith.cmpi ne, %convert_element_type3A_79, %cond3A_80 : i32
        scf.if %cond3A_81 {
          %scan3A_82 = arith.constant 0 : i32
          %scan3A_83 = arith.constant 5 : i32
          %scan3A_84 = arith.addi %scan3A_82, %scan3A_83 : i32
          %scan3A_85 = arith.constant 1 : i32
          scf.for %scan3A_95 = %scan3A_82 to %scan3A_84 step %scan3A_85  : i32 {
            %mul3A_96 = arith.constant 1 : i32
            %mul3A_97 = arith.muli %scan3A_95, %mul3A_96 : i32
            %add3A_98 = arith.constant 0 : i32
            %add3A_99 = arith.addi %add3A_98, %mul3A_97 : i32
            %mul3A_100 = arith.constant 80 : i32
            %mul3A_101 = arith.muli %add3A_76, %mul3A_100 : i32
            %mul3A_102 = arith.constant 16 : i32
            %mul3A_103 = arith.muli %add3A_99, %mul3A_102 : i32
            %add3A_104 = arith.addi %mul3A_101, %mul3A_103 : i32
            %get3A = arith.index_cast %add3A_104 : i32 to index
            %get3A_105 = tpu.vector_load %arg6[%get3A] {strides = array<i32>} : memref<10000xi32, #tpu.memory_space<vmem>>, vector<16xi32>,
            %and3A = arith.constant 65535 : i32
            %and3A_106 = vector.broadcast %and3A : i32 to vector<16xi32>
            %and3A_107 = arith.andi %get3A_105, %and3A_106 : vector<16xi32>
            %add3A_108 = vector.broadcast %mul3A_2 : i32 to vector<16xi32>
            %add3A_109 = arith.addi %and3A_107, %add3A_108 : vector<16xi32>
            %mul3A_110 = arith.constant 16 : i32
            %mul3A_111 = arith.muli %add3A_99, %mul3A_110 : i32
            %swap3A = arith.index_cast %mul3A_111 : i32 to index
            %swap3A_112 = tpu.vector_load %arg9[%swap3A] {strides = array<i32>} : memref<80xi32, #tpu.memory_space<vmem>>, vector<16xi32>,
            tpu.vector_store %arg9[%swap3A], %add3A_109 {strides = array<i32>} : memref<80xi32, #tpu.memory_space<vmem>>, vector<16xi32>,
            %shift_right_logical3A = arith.constant 16 : i32
            %shift_right_logical3A_113 = vector.broadcast %shift_right_logical3A : i32 to vector<16xi32>
            %shift_right_logical3A_114 = arith.shrui %get3A_105, %shift_right_logical3A_113 : vector<16xi32>
            %mul3A_115 = arith.constant 16 : i32
            %mul3A_116 = arith.muli %add3A_99, %mul3A_115 : i32
            %swap3A_117 = arith.index_cast %mul3A_116 : i32 to index
            %swap3A_118 = tpu.vector_load %arg12[%swap3A_117] {strides = array<i32>} : memref<80xi32, #tpu.memory_space<vmem>>, vector<16xi32>,
            tpu.vector_store %arg12[%swap3A_117], %shift_right_logical3A_114 {strides = array<i32>} : memref<80xi32, #tpu.memory_space<vmem>>, vector<16xi32>,
          }
          %scan3A_86 = arith.constant 5 : i32
          %dma_start3A_87 = arith.constant 2 : i32
          %dma_start3A_88 = arith.constant 0 : i32
          %dma_start3A_89 = arith.constant 0 : i32
          %dma_start3A_90 = tpu.memref_slice %arg13[%dma_start3A_87, %dma_start3A_88, %dma_start3A_89] : memref<3x80x128xf32, #tpu.memory_space<vmem>> -> memref<1x80x128xf32, #tpu.memory_space<vmem>>
          %dma_start3A_91 = tpu.memref_squeeze %dma_start3A_90 : memref<1x80x128xf32, #tpu.memory_space<vmem>> -> memref<80x128xf32, #tpu.memory_space<vmem>>
          %dma_start3A_92 = arith.constant 0 : i32
          %dma_start3A_93 = arith.constant 0 : i32
          %dma_start3A_94 = tpu.memref_slice %arg2[%dma_start3A_92, %dma_start3A_93] : memref<20000x128xf32, #tpu.memory_space<hbm>> -> memref<20000x128xf32, #tpu.memory_space<hbm>>
          tpu.enqueue_indirect_dma source(%dma_start3A_94 : memref<20000x128xf32, #tpu.memory_space<hbm>>) target(%dma_start3A_91 : memref<80x128xf32, #tpu.memory_space<vmem>>) offsets(%arg9 : memref<80xi32, #tpu.memory_space<vmem>>) semaphore(%arg17 : memref<!tpu.dma_semaphore, #tpu.memory_space<semaphore_mem>>)
        } else {
        }
      } else {
      }
    }
    %scan3A_44 = arith.constant 42 : i32
    %barrier3A_45 = arith.constant 0 : index
    tpu.barrier barrier_id(%barrier3A_45)
    "tpu.region"() ({
      %run_scoped3A = tpu.sem_alloc : memref<!tpu.dma_semaphore, #tpu.memory_space<semaphore_mem>>
      %dma_start3A_46 = arith.constant 0 : i32
      %dma_start3A_47 = tpu.memref_slice %arg5[%arg0, %mul3A_0, %dma_start3A_46] : memref<2x10240x128xf32, #tpu.memory_space<hbm>> -> memref<1x640x128xf32, #tpu.memory_space<hbm>>
      %dma_start3A_48 = tpu.memref_squeeze %dma_start3A_47 : memref<1x640x128xf32, #tpu.memory_space<hbm>> -> memref<640x128xf32, #tpu.memory_space<hbm>>
      %dma_start3A_49 = arith.constant 0 : i32
      %dma_start3A_50 = tpu.memref_slice %arg14[%mul3A_0, %dma_start3A_49] : memref<10240x128xf32, #tpu.memory_space<vmem_shared>> -> memref<640x128xf32, #tpu.memory_space<vmem_shared>>
      tpu.enqueue_dma source(%dma_start3A_50 : memref<640x128xf32, #tpu.memory_space<vmem_shared>>) target(%dma_start3A_48 : memref<640x128xf32, #tpu.memory_space<hbm>>) target_semaphore(%run_scoped3A : memref<!tpu.dma_semaphore, #tpu.memory_space<semaphore_mem>>)
      %dma_wait3A = arith.constant 0 : i32
      %dma_wait3A_51 = tpu.memref_slice %arg5[%arg0, %mul3A_0, %dma_wait3A] : memref<2x10240x128xf32, #tpu.memory_space<hbm>> -> memref<1x640x128xf32, #tpu.memory_space<hbm>>
      %dma_wait3A_52 = tpu.memref_squeeze %dma_wait3A_51 : memref<1x640x128xf32, #tpu.memory_space<hbm>> -> memref<640x128xf32, #tpu.memory_space<hbm>>
      %dma_wait3A_53 = arith.constant 0 : i32
      %dma_wait3A_54 = tpu.memref_slice %arg14[%mul3A_0, %dma_wait3A_53] : memref<10240x128xf32, #tpu.memory_space<vmem_shared>> -> memref<640x128xf32, #tpu.memory_space<vmem_shared>>
      tpu.wait_dma2 semaphore(%run_scoped3A : memref<!tpu.dma_semaphore, #tpu.memory_space<semaphore_mem>>) src(%dma_wait3A_54 : memref<640x128xf32, #tpu.memory_space<vmem_shared>>) dst(%dma_wait3A_52 : memref<640x128xf32, #tpu.memory_space<hbm>>)
      tpu.yield
    }) : () -> ()
    return
  }
}

module attributes {stable_mosaic.version = 14 : i64} {
  func.func @_combine_body(%arg0: i32, %arg1: memref<2x1000x128xf32, #tpu.memory_space<vmem>>, %arg2: memref<1000x256xf32, #tpu.memory_space<vmem>>, %arg3: memref<1000x1xf32, #tpu.memory_space<vmem>>, %arg4: memref<256x256xf32, #tpu.memory_space<vmem>>, %arg5: memref<1000x256xf32, #tpu.memory_space<vmem>>) attributes {dimension_semantics = [#tpu.dimension_semantics<arbitrary>], iteration_bounds = array<i64: 10>, scalar_prefetch = 0 : i64, scratch_operands = 0 : i64, tpu.core_type = #tpu.core_type<tc>, window_params = [{transform_indices = @transform_0, window_bounds = array<i64: 2, 1000, 128>}, {transform_indices = @transform_1, window_bounds = array<i64: 1000, 256>}, {transform_indices = @transform_2, window_bounds = array<i64: 1000, 1>}, {pipeline_mode = #tpu.pipeline_mode<synchronous>, transform_indices = @transform_3, window_bounds = array<i64: 256, 256>}, {transform_indices = @transform_4, window_bounds = array<i64: 1000, 256>}]} {
    %get3A = arith.constant 0 : index
    %get3A_0 = arith.constant 0 : index
    %get3A_1 = arith.constant 0 : index
    %get3A_2 = vector.load %arg1[%get3A, %get3A_0, %get3A_1] : memref<2x1000x128xf32, #tpu.memory_space<vmem>>, vector<1x1000x128xf32>
    %get3A_3 = vector.shape_cast %get3A_2 : vector<1x1000x128xf32> to vector<1000x128xf32>
    %get3A_4 = arith.constant 1 : index
    %get3A_5 = arith.constant 0 : index
    %get3A_6 = arith.constant 0 : index
    %get3A_7 = vector.load %arg1[%get3A_4, %get3A_5, %get3A_6] : memref<2x1000x128xf32, #tpu.memory_space<vmem>>, vector<1x1000x128xf32>
    %get3A_8 = vector.shape_cast %get3A_7 : vector<1x1000x128xf32> to vector<1000x128xf32>
    %concatenate3A = tpu.concatenate %get3A_3, %get3A_8 in 1 : vector<1000x128xf32>, vector<1000x128xf32> -> vector<1000x256xf32>
    %get3A_9 = arith.constant 0 : index
    %get3A_10 = arith.constant 0 : index
    %get3A_11 = vector.load %arg3[%get3A_9, %get3A_10] : memref<1000x1xf32, #tpu.memory_space<vmem>>, vector<1000x1xf32>
    %mul3A = vector.broadcast %get3A_11 : vector<1000x1xf32> to vector<1000x256xf32>
    %mul3A_12 = arith.mulf %mul3A, %concatenate3A : vector<1000x256xf32>
    %mul3A_13 = arith.mulf %get3A_11, %get3A_11 : vector<1000x1xf32>
    %get3A_14 = arith.constant 0 : index
    %get3A_15 = arith.constant 0 : index
    %get3A_16 = vector.load %arg2[%get3A_14, %get3A_15] : memref<1000x256xf32, #tpu.memory_space<vmem>>, vector<1000x256xf32>
    %mul3A_17 = vector.broadcast %mul3A_13 : vector<1000x1xf32> to vector<1000x256xf32>
    %mul3A_18 = arith.mulf %mul3A_17, %get3A_16 : vector<1000x256xf32>
    %add3A = arith.addf %mul3A_12, %mul3A_18 : vector<1000x256xf32>
    %mul3A_19 = arith.constant 0.899999976 : f32
    %mul3A_20 = vector.broadcast %mul3A_19 : f32 to vector<1000x256xf32>
    %mul3A_21 = arith.mulf %mul3A_20, %add3A : vector<1000x256xf32>
    %get3A_22 = arith.constant 0 : index
    %get3A_23 = arith.constant 0 : index
    %get3A_24 = vector.load %arg2[%get3A_22, %get3A_23] : memref<1000x256xf32, #tpu.memory_space<vmem>>, vector<1000x256xf32>
    %mul3A_25 = arith.constant 1.000000e-01 : f32
    %mul3A_26 = vector.broadcast %mul3A_25 : f32 to vector<1000x256xf32>
    %mul3A_27 = arith.mulf %mul3A_26, %get3A_24 : vector<1000x256xf32>
    %add3A_28 = arith.addf %mul3A_21, %mul3A_27 : vector<1000x256xf32>
    %get3A_29 = arith.constant 0 : index
    %get3A_30 = arith.constant 0 : index
    %get3A_31 = vector.load %arg4[%get3A_29, %get3A_30] : memref<256x256xf32, #tpu.memory_space<vmem>>, vector<256x256xf32>
    %dot_general3A = arith.constant dense<0.000000e+00> : vector<1000x256xf32>
    %dot_general3A_32 = tpu.matmul %add3A_28, %get3A_31, %dot_general3A {dimension_numbers = #tpu.dot_dimension_numbers<[1], [0], [0], [1], [0, 0, 1, 1], [], []>, precision = #tpu.contract_precision<fp32>, transpose_lhs_hint = false} : vector<1000x256xf32>, vector<256x256xf32>, vector<1000x256xf32> -> vector<1000x256xf32>
    %mul3A_33 = arith.constant 0.776856422 : f32
    %mul3A_34 = vector.broadcast %mul3A_33 : f32 to vector<1000x256xf32>
    %mul3A_35 = arith.mulf %mul3A_34, %add3A_28 : vector<1000x256xf32>
    %mul3A_36 = arith.constant 0.223143548 : f32
    %mul3A_37 = vector.broadcast %mul3A_36 : f32 to vector<1000x256xf32>
    %mul3A_38 = arith.mulf %mul3A_37, %dot_general3A_32 : vector<1000x256xf32>
    %add3A_39 = arith.addf %mul3A_35, %mul3A_38 : vector<1000x256xf32>
    %swap3A = arith.constant 0 : index
    %swap3A_40 = arith.constant 0 : index
    %swap3A_41 = vector.load %arg5[%swap3A, %swap3A_40] : memref<1000x256xf32, #tpu.memory_space<vmem>>, vector<1000x256xf32>
    tpu.vector_store %arg5[%swap3A, %swap3A_40], %add3A_39 {strides = array<i32>} : memref<1000x256xf32, #tpu.memory_space<vmem>>, vector<1000x256xf32>,
    return
  }
  func.func @transform_0(%arg0: i32) -> (i32, i32, i32) {
    %c0_i32 = arith.constant 0 : i32
    %c0_i32_0 = arith.constant 0 : i32
    %c0_i32_1 = arith.constant 0 : i32
    return %c0_i32, %arg0, %c0_i32_0 : i32, i32, i32
  }
  func.func @transform_1(%arg0: i32) -> (i32, i32) {
    %c0_i32 = arith.constant 0 : i32
    %c0_i32_0 = arith.constant 0 : i32
    return %arg0, %c0_i32 : i32, i32
  }
  func.func @transform_2(%arg0: i32) -> (i32, i32) {
    %c0_i32 = arith.constant 0 : i32
    %c0_i32_0 = arith.constant 0 : i32
    return %arg0, %c0_i32 : i32, i32
  }
  func.func @transform_3(%arg0: i32) -> (i32, i32) {
    %c0_i32 = arith.constant 0 : i32
    %c0_i32_0 = arith.constant 0 : i32
    %c0_i32_1 = arith.constant 0 : i32
    return %c0_i32, %c0_i32_0 : i32, i32
  }
  func.func @transform_4(%arg0: i32) -> (i32, i32) {
    %c0_i32 = arith.constant 0 : i32
    %c0_i32_0 = arith.constant 0 : i32
    return %arg0, %c0_i32 : i32, i32
  }
}

module attributes {stable_mosaic.version = 14 : i64} {
  func.func @_prep_body(%arg0: i32, %arg1: memref<1000x256xf32, #tpu.memory_space<vmem>>, %arg2: memref<1x256xf32, #tpu.memory_space<vmem>>, %arg3: memref<1x256xf32, #tpu.memory_space<vmem>>, %arg4: memref<1000x1xf32, #tpu.memory_space<vmem>>, %arg5: memref<1000x1xf32, #tpu.memory_space<vmem>>, %arg6: memref<1000x256xf32, #tpu.memory_space<vmem>>, %arg7: memref<2x1000x128xf32, #tpu.memory_space<vmem>>, %arg8: memref<1000x1xf32, #tpu.memory_space<vmem>>) attributes {dimension_semantics = [#tpu.dimension_semantics<arbitrary>], iteration_bounds = array<i64: 10>, scalar_prefetch = 0 : i64, scratch_operands = 0 : i64, tpu.core_type = #tpu.core_type<tc>, window_params = [{transform_indices = @transform_0, window_bounds = array<i64: 1000, 256>}, {pipeline_mode = #tpu.pipeline_mode<synchronous>, transform_indices = @transform_1, window_bounds = array<i64: 1, 256>}, {pipeline_mode = #tpu.pipeline_mode<synchronous>, transform_indices = @transform_2, window_bounds = array<i64: 1, 256>}, {transform_indices = @transform_3, window_bounds = array<i64: 1000, 1>}, {transform_indices = @transform_4, window_bounds = array<i64: 1000, 1>}, {transform_indices = @transform_5, window_bounds = array<i64: 1000, 256>}, {transform_indices = @transform_6, window_bounds = array<i64: 2, 1000, 128>}, {transform_indices = @transform_7, window_bounds = array<i64: 1000, 1>}]} {
    %get3A = arith.constant 0 : index
    %get3A_0 = arith.constant 0 : index
    %get3A_1 = vector.load %arg1[%get3A, %get3A_0] : memref<1000x256xf32, #tpu.memory_space<vmem>>, vector<1000x256xf32>
    %reduce_sum3A = arith.constant dense<0.000000e+00> : vector<1000xf32>
    %reduce_sum3A_2 = vector.multi_reduction <add>, %get3A_1, %reduce_sum3A [1] : vector<1000x256xf32> to vector<1000xf32>
    %broadcast_in_dim3A = vector.shape_cast %reduce_sum3A_2 : vector<1000xf32> to vector<1000x1xf32>
    %div3A = arith.constant 2.560000e+02 : f32
    %div3A_3 = vector.broadcast %div3A : f32 to vector<1000x1xf32>
    %div3A_4 = arith.divf %broadcast_in_dim3A, %div3A_3 : vector<1000x1xf32>
    %sub3A = vector.broadcast %div3A_4 : vector<1000x1xf32> to vector<1000x256xf32>
    %sub3A_5 = arith.subf %get3A_1, %sub3A : vector<1000x256xf32>
    %square3A = arith.mulf %sub3A_5, %sub3A_5 : vector<1000x256xf32>
    %reduce_sum3A_6 = arith.constant dense<0.000000e+00> : vector<1000xf32>
    %reduce_sum3A_7 = vector.multi_reduction <add>, %square3A, %reduce_sum3A_6 [1] : vector<1000x256xf32> to vector<1000xf32>
    %broadcast_in_dim3A_8 = vector.shape_cast %reduce_sum3A_7 : vector<1000xf32> to vector<1000x1xf32>
    %div3A_9 = arith.constant 2.560000e+02 : f32
    %div3A_10 = vector.broadcast %div3A_9 : f32 to vector<1000x1xf32>
    %div3A_11 = arith.divf %broadcast_in_dim3A_8, %div3A_10 : vector<1000x1xf32>
    %sub3A_12 = vector.broadcast %div3A_4 : vector<1000x1xf32> to vector<1000x256xf32>
    %sub3A_13 = arith.subf %get3A_1, %sub3A_12 : vector<1000x256xf32>
    %add3A = arith.constant 9.99999974E-6 : f32
    %add3A_14 = vector.broadcast %add3A : f32 to vector<1000x1xf32>
    %add3A_15 = arith.addf %div3A_11, %add3A_14 : vector<1000x1xf32>
    %rsqrt3A = math.rsqrt %add3A_15 : vector<1000x1xf32>
    %mul3A = vector.broadcast %rsqrt3A : vector<1000x1xf32> to vector<1000x256xf32>
    %mul3A_16 = arith.mulf %sub3A_13, %mul3A : vector<1000x256xf32>
    %get3A_17 = arith.constant 0 : index
    %get3A_18 = arith.constant 0 : index
    %get3A_19 = vector.load %arg2[%get3A_17, %get3A_18] : memref<1x256xf32, #tpu.memory_space<vmem>>, vector<1x256xf32>
    %mul3A_20 = vector.broadcast %get3A_19 : vector<1x256xf32> to vector<1000x256xf32>
    %mul3A_21 = arith.mulf %mul3A_16, %mul3A_20 : vector<1000x256xf32>
    %get3A_22 = arith.constant 0 : index
    %get3A_23 = arith.constant 0 : index
    %get3A_24 = vector.load %arg3[%get3A_22, %get3A_23] : memref<1x256xf32, #tpu.memory_space<vmem>>, vector<1x256xf32>
    %add3A_25 = vector.broadcast %get3A_24 : vector<1x256xf32> to vector<1000x256xf32>
    %add3A_26 = arith.addf %mul3A_21, %add3A_25 : vector<1000x256xf32>
    %max3A = arith.constant 0.000000e+00 : f32
    %max3A_27 = vector.broadcast %max3A : f32 to vector<1000x256xf32>
    %max3A_28 = arith.maximumf %add3A_26, %max3A_27 : vector<1000x256xf32>
    %get3A_29 = arith.constant 0 : index
    %get3A_30 = arith.constant 0 : index
    %get3A_31 = vector.load %arg4[%get3A_29, %get3A_30] : memref<1000x1xf32, #tpu.memory_space<vmem>>, vector<1000x1xf32>
    %get3A_32 = arith.constant 0 : index
    %get3A_33 = arith.constant 0 : index
    %get3A_34 = vector.load %arg5[%get3A_32, %get3A_33] : memref<1000x1xf32, #tpu.memory_space<vmem>>, vector<1000x1xf32>
    %add3A_35 = arith.addf %get3A_31, %get3A_34 : vector<1000x1xf32>
    %add3A_36 = arith.constant 1.000000e+00 : f32
    %add3A_37 = vector.broadcast %add3A_36 : f32 to vector<1000x1xf32>
    %add3A_38 = arith.addf %add3A_35, %add3A_37 : vector<1000x1xf32>
    %rsqrt3A_39 = math.rsqrt %add3A_38 : vector<1000x1xf32>
    %mul3A_40 = vector.broadcast %rsqrt3A_39 : vector<1000x1xf32> to vector<1000x256xf32>
    %mul3A_41 = arith.mulf %mul3A_40, %max3A_28 : vector<1000x256xf32>
    %swap3A = arith.constant 0 : index
    %swap3A_42 = arith.constant 0 : index
    %swap3A_43 = vector.load %arg6[%swap3A, %swap3A_42] : memref<1000x256xf32, #tpu.memory_space<vmem>>, vector<1000x256xf32>
    tpu.vector_store %arg6[%swap3A, %swap3A_42], %max3A_28 {strides = array<i32>} : memref<1000x256xf32, #tpu.memory_space<vmem>>, vector<1000x256xf32>,
    %swap3A_44 = arith.constant 0 : index
    %swap3A_45 = arith.constant 0 : index
    %swap3A_46 = vector.load %arg8[%swap3A_44, %swap3A_45] : memref<1000x1xf32, #tpu.memory_space<vmem>>, vector<1000x1xf32>
    tpu.vector_store %arg8[%swap3A_44, %swap3A_45], %rsqrt3A_39 {strides = array<i32>} : memref<1000x1xf32, #tpu.memory_space<vmem>>, vector<1000x1xf32>,
    %slice3A = vector.extract_strided_slice %mul3A_41 {offsets = [0, 0], sizes = [1000, 128], strides = [1, 1]} : vector<1000x256xf32> to vector<1000x128xf32>
    %slice3A_47 = vector.extract_strided_slice %mul3A_41 {offsets = [0, 128], sizes = [1000, 128], strides = [1, 1]} : vector<1000x256xf32> to vector<1000x128xf32>
    %stack3A = vector.shape_cast %slice3A : vector<1000x128xf32> to vector<1x1000x128xf32>
    %stack3A_48 = vector.shape_cast %slice3A_47 : vector<1000x128xf32> to vector<1x1000x128xf32>
    %stack3A_49 = tpu.concatenate %stack3A, %stack3A_48 in 0 : vector<1x1000x128xf32>, vector<1x1000x128xf32> -> vector<2x1000x128xf32>
    %swap3A_50 = arith.constant 0 : index
    %swap3A_51 = arith.constant 0 : index
    %swap3A_52 = arith.constant 0 : index
    %swap3A_53 = vector.load %arg7[%swap3A_50, %swap3A_51, %swap3A_52] : memref<2x1000x128xf32, #tpu.memory_space<vmem>>, vector<2x1000x128xf32>
    tpu.vector_store %arg7[%swap3A_50, %swap3A_51, %swap3A_52], %stack3A_49 {strides = array<i32>} : memref<2x1000x128xf32, #tpu.memory_space<vmem>>, vector<2x1000x128xf32>,
    return
  }
  func.func @transform_0(%arg0: i32) -> (i32, i32) {
    %c0_i32 = arith.constant 0 : i32
    %c0_i32_0 = arith.constant 0 : i32
    return %arg0, %c0_i32 : i32, i32
  }
  func.func @transform_1(%arg0: i32) -> (i32, i32) {
    %c0_i32 = arith.constant 0 : i32
    %c0_i32_0 = arith.constant 0 : i32
    %c0_i32_1 = arith.constant 0 : i32
    return %c0_i32, %c0_i32_0 : i32, i32
  }
  func.func @transform_2(%arg0: i32) -> (i32, i32) {
    %c0_i32 = arith.constant 0 : i32
    %c0_i32_0 = arith.constant 0 : i32
    %c0_i32_1 = arith.constant 0 : i32
    return %c0_i32, %c0_i32_0 : i32, i32
  }
  func.func @transform_3(%arg0: i32) -> (i32, i32) {
    %c0_i32 = arith.constant 0 : i32
    %c0_i32_0 = arith.constant 0 : i32
    return %arg0, %c0_i32 : i32, i32
  }
  func.func @transform_4(%arg0: i32) -> (i32, i32) {
    %c0_i32 = arith.constant 0 : i32
    %c0_i32_0 = arith.constant 0 : i32
    return %arg0, %c0_i32 : i32, i32
  }
  func.func @transform_5(%arg0: i32) -> (i32, i32) {
    %c0_i32 = arith.constant 0 : i32
    %c0_i32_0 = arith.constant 0 : i32
    return %arg0, %c0_i32 : i32, i32
  }
  func.func @transform_6(%arg0: i32) -> (i32, i32, i32) {
    %c0_i32 = arith.constant 0 : i32
    %c0_i32_0 = arith.constant 0 : i32
    %c0_i32_1 = arith.constant 0 : i32
    return %c0_i32, %arg0, %c0_i32_0 : i32, i32, i32
  }
  func.func @transform_7(%arg0: i32) -> (i32, i32) {
    %c0_i32 = arith.constant 0 : i32
    %c0_i32_0 = arith.constant 0 : i32
    return %arg0, %c0_i32 : i32, i32
  }
}

</mosaic_0001>

<sc_bundles>
// kernel: kernel.6.cloned.1.call-start
scs
__scs_entry_jumppad:
0x0: {  	(pc) =	sbr.rel $0x88, $3  }
0x1: {  	(tag) =	ssettag $0x0;
	lr =	simm.s32 $0x1  }
0x2: {  	[smem:$0x3F9C] =	sst lr;
	_ =	strace $0xD0000000  }
0x3: {  	_ = 	snop  }
0x4: {  	_ = 	snop  }
0x5: {  	_ = 	snop  }
0x6: {  	_ = 	snop  }
0x7: {  	_ = 	snop  }
__scs_overlays_trampoline_lowered:
0x8: {  	[smem:$0x3FAB] =	sst s0  }
0x9: {  	[smem:$0x3FAC] =	sst s1  }
0xa: {  	[smem:$0x3FAD] =	sst s2  }
0xb: {  	[smem:$0x3FAE] =	sst s3  }
0xc: {  	[smem:$0x3FAF] =	sst s4  }
0xd: {  	[smem:$0x3FB0] =	sst s5  }
0xe: {  	[smem:$0x3FB1] =	sst s6  }
0xf: {  	[smem:$0x3FB2] =	sst s7  }
0x10: {  	[smem:$0x3FB3] =	sst s8  }
0x11: {  	[smem:$0x3FB4] =	sst s9;
	s0 =	simm.s32 @!p0 $0x0  }
0x12: {  	s1 =	sld [smem:$0x3F9A];
	s0 =	simm.s32 @p0 $0x1  }
0x13: {  	[smem:$0x3FB5] =	sst s0;
	s0 =	simm.s32 @!p1 $0x0  }
0x14: {  	s2 =	sld [smem:$0x3F99];
	s0 =	simm.s32 @p1 $0x1  }
0x15: {  	[smem:$0x3FB6] =	sst s0;
	s0 =	simm.s32 @!p2 $0x0  }
0x16: {  	s3 =	sld [smem:$0x3FDB];
	s0 =	simm.s32 @p2 $0x1  }
0x17: {  	s4 =	simm.s32 $0x1BF5;
	[smem:$0x3FB8] =	sst s0  }
0x18: {  	s0 =	sld [smem:$0x3F9B];
	_ =	swait.ge [sflag:s4], $0x0  }
0x19: {  	s7 =	sld [smem:$0x3F9C]  }
0x1a: {  	s8 =	sadd.s32 $0xFFFFE003, lr  }
0x1b: {  	s9 =	sadd.s32 $0xFFFFFEF7, lr;
	s5 =	simm.s32 $0xFFFFFFFF;
	p2 =	slt.u32 s8, $0xFFFFF086  }
0x1c: {  	p1 =	slt.u32 s9, $0xF7A;
	s5 =	simm.s32 @!p2 $0x0  }
0x1d: {  	s5 =	simm.s32 @p1 $0x1;
	p0 =	seq.s32 s7, s2  }
0x1e: {  	s7 =	smul.u32 @!p0 $0xF7A, s2;
	p2 =	seq.s32 @!p0 s5, $0x0  }
0x1f: {  	s9 =	smul.u32 $0xF7A, s1;
	s8 =	simm.s32 @!p0 $0x1BF5;
	p2 =	por !p2, p0  }
0x20: {  	[sflag:s8] =	ssyncset.s32 @!p0 $0xFFFFF086;
	s6 =	sadd.s32 @!p0 s3, s7;
	s7 =	simm.s32 @!p0 $0x108  }
0x21: {  	s3 =	sadd.s32 s3, s9;
	s6 =	sadd.s32 @!p0 $0x88, s6;
	s7 =	simm.s32 @p2 $0x1082  }
0x22: {  	[simem:s7], [sflag:s8] =	dma.local @!p0 [hbm:s6], $0xF7A  }
0x23: {  	s9 =	sor.u32 $0xD0000000, s2;
	s6 =	simm.s32 $0x108;
	_ =	swait.ge @!p0 [sflag:s8], $0x0  }
0x24: {  	s3 =	sadd.s32 $0x88, s3;
	s6 =	simm.s32 @!p1 $0x1082;
	[sflag:s4] =	ssyncset.s32 $0xFFFFF086  }
0x25: {  	[simem:s6], [sflag:s4] =	dma.local [hbm:s3], $0xF7A  }
0x26: {  	[smem:$0x3F9C] =	sst s1;
	(tag) =	ssettag s2;
	_ =	strace s9  }
0x27: {  	s1 =	sld [smem:$0x3FAC]  }
0x28: {  	s2 =	sld [smem:$0x3FAD]  }
0x29: {  	s4 =	sld [smem:$0x3FAF]  }
0x2a: {  	p0 =	seq.s32 s5, $0x0;
	s5 =	sld [smem:$0x3FB0]  }
0x2b: {  	s6 =	sld [smem:$0x3FB1]  }
0x2c: {  	s7 =	sld [smem:$0x3FB2]  }
0x2d: {  	s3 =	simm.s32 $0x108;
	s8 =	sld [smem:$0x3FB3]  }
0x2e: {  	s3 =	simm.s32 @!p0 $0x1082;
	s9 =	sld [smem:$0x3FB4]  }
0x2f: {  	lr =	sadd.s32 s0, s3;
	s0 =	sld [smem:$0x3FAB]  }
0x30: {  	s3 =	sld [smem:$0x3FAE]  }
0x31: {  	[smem:$0x3FB7] =	sst s10  }
0x32: {  	s10 =	sld [smem:$0x3FB5];
	_ =	sdelay $0x3  }
0x33: {  	p0 =	seq.s32 s10, $0x1;
	s10 =	sld [smem:$0x3FB7];
	_ =	sdelay $0x3  }
0x34: {  	[smem:$0x3FB7] =	sst s10  }
0x35: {  	s10 =	sld [smem:$0x3FB6];
	_ =	sdelay $0x3  }
0x36: {  	p1 =	seq.s32 s10, $0x1;
	s10 =	sld [smem:$0x3FB7];
	_ =	sdelay $0x3  }
0x37: {  	[smem:$0x3FB7] =	sst s10  }
0x38: {  	s10 =	sld [smem:$0x3FB8]  }
0x39: {  	_ = 	snop;
	(pc) =	sbr.ind lr, $3  }
0x3a: {  	_ = 	snop  }
0x3b: {  	_ = 	snop  }
0x3c: {  	p2 =	seq.s32 s10, $0x1;
	s10 =	sld [smem:$0x3FB7]  }
0x3d: {  	_ =	shalt  }
0x3e: {  	_ =	shalt  }
0x3f: {  	_ =	shalt  }
0x40: {  	_ =	shalt  }
0x41: {  	_ =	shalt  }
0x42: {  	_ =	shalt  }
0x43: {  	_ =	shalt  }
0x44: {  	_ =	shalt  }
0x45: {  	_ =	shalt  }
0x46: {  	_ =	shalt  }
0x47: {  	_ =	shalt  }
0x48: {  	_ =	shalt  }
0x49: {  	_ =	shalt  }
0x4a: {  	_ =	shalt  }
0x4b: {  	_ =	shalt  }
0x4c: {  	_ =	shalt  }
0x4d: {  	_ =	shalt  }
0x4e: {  	_ =	shalt  }
0x4f: {  	_ =	shalt  }
0x50: {  	_ =	shalt  }
0x51: {  	_ =	shalt  }
0x52: {  	_ =	shalt  }
0x53: {  	_ =	shalt  }
0x54: {  	_ =	shalt  }
0x55: {  	_ =	shalt  }
0x56: {  	_ =	shalt  }
0x57: {  	_ =	shalt  }
0x58: {  	_ =	shalt  }
0x59: {  	_ =	shalt  }
0x5a: {  	_ =	shalt  }
0x5b: {  	_ =	shalt  }
0x5c: {  	_ =	shalt  }
0x5d: {  	_ =	shalt  }
0x5e: {  	_ =	shalt  }
0x5f: {  	_ =	shalt  }
0x60: {  	_ =	shalt  }
0x61: {  	_ =	shalt  }
0x62: {  	_ =	shalt  }
0x63: {  	_ =	shalt  }
0x64: {  	_ =	shalt  }
0x65: {  	_ =	shalt  }
0x66: {  	_ =	shalt  }
0x67: {  	_ =	shalt  }
0x68: {  	_ =	shalt  }
0x69: {  	_ =	shalt  }
0x6a: {  	_ =	shalt  }
0x6b: {  	_ =	shalt  }
0x6c: {  	_ =	shalt  }
0x6d: {  	_ =	shalt  }
0x6e: {  	_ =	shalt  }
0x6f: {  	_ =	shalt  }
0x70: {  	_ =	shalt  }
0x71: {  	_ =	shalt  }
0x72: {  	_ =	shalt  }
0x73: {  	_ =	shalt  }
0x74: {  	_ =	shalt  }
0x75: {  	_ =	shalt  }
0x76: {  	_ =	shalt  }
0x77: {  	_ =	shalt  }
0x78: {  	_ =	shalt  }
0x79: {  	_ =	shalt  }
0x7a: {  	_ =	shalt  }
0x7b: {  	_ =	shalt  }
0x7c: {  	_ =	shalt  }
0x7d: {  	_ =	shalt  }
0x7e: {  	_ =	shalt  }
0x7f: {  	_ =	shalt  }
0x80: {  	_ =	shalt  }
0x81: {  	_ =	shalt  }
0x82: {  	_ =	shalt  }
0x83: {  	_ =	shalt  }
0x84: {  	_ =	shalt  }
0x85: {  	_ =	shalt  }
0x86: {  	_ =	shalt  }
0x87: {  	_ =	shalt  }
.Lfunc_end0:
.L_simem_size_0:
called_computation_lowered:
.L_overlay_start_0:
0x88: {  	s2 =	sld [smem:$0x3FD9]  }
0x89: {  	s3 =	sld [smem:$0x3FFE];
	_ =	sdelay $0x1  }
0x8a: {  	s1 =	srdreg.scid  }
0x8b: {  	s0 =	sand.u32 $0x1, s1  }
0x8c: {  	s17 =	sshll.u32 s0, $0xA;
	s2 =	sadd.s32 s3, s2  }
0x8d: {  	s2 =	sadd.s32 s2, s17  }
0x8e: {  	[smem:$0x3FC3] =	sst s2  }
0x8f: {  	_ = 	snop  }
0x90: {  	s2 =	sld [smem:$0x3FD0];
	(tm) =	ssettm $0x1  }
0x91: {  	s18 =	sld [smem:$0x3FFB];
	_ =	sdelay $0x3  }
0x92: {  	_ =	strace s18  }
0x93: {  	s3 =	sld [smem:$0x3FFC];
	_ =	sdelay $0x3  }
0x94: {  	_ =	strace s3  }
0x95: {  	s3 =	sld [smem:$0x3FFD];
	_ =	sdelay $0x3  }
0x96: {  	_ =	strace s3  }
0x97: {  	_ =	strace $0x8FFFFFFF  }
0x98: {  	s19 =	sld [smem:$0x3FDB];
	_ =	sdelay $0x1  }
0x99: {  	s4 =	simm.s32 $_scs_section_size  }
0x9a: {  	s5 =	simm.s32 $_size__tile_overlayer_lowered;
	s6 =	simm.s32 $_tile_overlayer_lowered  }
0x9b: {  	s22 =	simm.s32 $0x1BFF;
	s21 =	sshll.u32 s6, $0x1;
	s3 =	sadd.s32 s4, s19  }
0x9c: {  	s7 =	simm.s32 $0x0;
	s20 =	sshll.u32 s5, $0x1;
	s5 =	sadd.s32 s21, s3  }
0x9d: {  	[timem:s7], [sflag:s22] =	dma.local [hbm:s5], s20  }
0x9e: {  	_ =	swait.ge [sflag:s22], s20  }
0x9f: {  	s4 =	ssub.s32 $0x0, s20;
	[sflag:s22] =	ssyncset.done $0x0  }
0xa0: {  	[sflag:s22] =	ssyncadd.s32 s4;
	_ =	sdelay $0x1  }
0xa1: {  	s23 =	simm.s32 $0x1B8B  }
0xa2: {  	_ =	swait.ge [sflag:s23], $0x1  }
0xa3: {  	[sflag:s23] =	ssyncset.done $0x0  }
0xa4: {  	s25 =	simm.s32 $0x1B8E;
	s24 =	sld [smem:$0x3FFE];
	[sflag:s23] =	ssyncadd.s32 $0xFFFFFFFF  }
0xa5: {  	s26 =	simm.s32 $execute0_lowered;
	[smem:$0x3FD2] =	sst s25  }
0xa6: {  	s5 =	sshll.u32 s26, $0x1;
	_ =	strace $0x80000046;
	[dreg:$0x1] =	wrdreg $0xFFFFFFFF  }
0xa7: {  	s28 =	simm.s32 $_size_execute0_lowered;
	s3 =	sadd.s32 s3, s5;
	[dreg:$0x0] =	wrdreg $0x0  }
0xa8: {  	s5 =	sshll.u32 s28, $0x1;
	[dreg:$0x2] =	wrdreg s3  }
0xa9: {  	[dreg:$0x3] =	wrdreg s5  }
0xaa: {  	[dreg:$0x4] =	wrdreg $0xC0  }
0xab: {  	_ =	task [dreg:s7], $0x5FFFF  }
0xac: {  	[dreg:$0x1] =	wrdreg $0xFFFFFFFF  }
0xad: {  	[dreg:$0x0] =	wrdreg $0x60  }
0xae: {  	[dreg:$0x2] =	wrdreg s2  }
0xaf: {  	[dreg:$0x3] =	wrdreg s24  }
0xb0: {  	[dreg:$0x4] =	wrdreg $0x66800  }
0xb1: {  	[dreg:$0x5] =	wrdreg $0x9  }
0xb2: {  	_ =	task.clear_ibuf [dreg:s7], $0x6FFFF;
	_ =	strace $0x90000046  }
0xb3: {  	s29 =	simm.s32 $0x9;
	_ =	strace $0x80000048  }
0xb4: {  	_ =	swait.ge [sflag:s29], $0x1  }
0xb5: {  	[sflag:s29] =	ssyncadd.s32 $0xFFFFFFFF  }
0xb6: {  	_ =	strace $0x90000048  }
0xb7: {  	_ =	sfence  }
0xb8: {  	s30 =	sld [smem:$0x0];
	_ =	sdelay $0x2  }
0xb9: {  	s31 =	sshll.u32 s1, $0xD;
	s1 =	sshrl.u32 s1, $0x2  }
0xba: {  	s3 =	sand.u32 $0x4000, s31;
	s1 =	sadd.s32 s1, s30  }
0xbb: {  	s0 =	sor.u32 s3, s0;
	s1 =	sshll.u32 s1, $0x11  }
0xbc: {  	s0 =	sor.u32 s1, s0  }
0xbd: {  	s0 =	sadd.s32 $0x8F2B, s0  }
0xbe: {  	[sflag:s0] =	ssyncadd.remote.s32 $0x1  }
0xbf: {  	_ =	sfence.sel $0xFFFF  }
0xc0: {  	[dreg:$0x0] =	wrdreg $0xFFFFFFFF;
	(pc) =	sbr.abs _section_cstart, $3  }
0xc1: {  	[dreg:$0x1] =	wrdreg $0xFFFFFFFF  }
0xc2: {  	_ =	task.clear_ibuf [dreg:s7], $0x2FFFF;
	_ =	strace $0x9FFFFFFF  }
0xc3: {  	(tm) =	ssettm $0x7FFFFFFF  }
tec
execute0_lowered:
.L_overlay_start_1:
0x0: {  	(tag) =	ssettag $0x1  }
0x1: {  	s3 =	rddreg [dreg:$0x0]  }
0x2: {  	s4 =	rddreg [dreg:$0x1];
	s1 =	srdreg.scid  }
0x3: {  	s0 =	stileid.u32;
	s5 =	rddreg [dreg:$0x2];
	s2 =	simm.s32 $0x0  }
0x4: {  	s12 =	simm.s32 $0x14000;
	s13 =	simm.s32 $0x3C00;
	s14 =	simm.s32 $0x100  }
0x5: {  	s15 =	simm.s32 $0x6400;
	s6 =	sand.u32 $0x1, s1;
	s1 =	rddreg [dreg:$0x3]  }
0x6: {  	s7 =	smul.u32 $0x500, s0;
	[smem:$0x7FF] =	sst s2;
	s28 =	sshll.u32 s0, $0x7  }
0x7: {  	s9 =	sshrl.u32 s0, $0x3;
	s11 =	smul.u32 $0x5000, s0;
	s8 =	sshll.u32 s6, $0x7  }
0x8: {  	s25 =	sshll.u32 s6, $0x4;
	_ =	strace $0x80000047;
	s6 =	ssub.s32 $0x2, s6  }
0x9: {  	s9 =	smul.u32 $0x50000, s9;
	s7 =	sor.u32 s8, s7;
	s8 =	sor.u32 s0, s25  }
0xa: {  	s10 =	sshrl.u32 s6, $0x1;
	s31 =	sshrl.u32 s11, $0x2;
	s11 =	simm.s32 $0x1400  }
0xb: {  	s7 =	sshrl.u32 s7, $0x3;
	s26 =	sshrl.u32 s8, $0x3;
	s8 =	sand.u32 $0x380, s28  }
0xc: {  	s29 =	sshrl.u32 s9, $0x2;
	s7 =	sadd.s32 s7, s4;
	s4 =	smul.u32 $0xA000, s26  }
0xd: {  	s10 =	ssub.s32 s6, s10;
	s9 =	simm.s32 $0x400;
	s30 =	sadd.s32 s29, s5  }
0xe: {  	s5 =	sadd.s32 s31, s5;
	s6 =	sadd.s32 $0xC00, s7;
	s4 =	sor.u32 s8, s4  }
0xf: {  	s7 =	smax.u32 s10, $0x1;
	s10 =	simm.s32 $0x1;
	s4 =	sshrl.u32 s4, $0x3  }
0x10: {  	v0 =	vimm.f32 $0.0e+00;
	v1 =	vimm.f32 $1.000000000e+00;
	s3 =	sadd.s32 s3, s4;
	s4 =	sadd.s32 s8, s30;
	s8 =	simm.s32 $0x80  }
.LBB2_1:
0x11: {  	s16 =	simm.s32 $0x40;
	s17 =	simm.s32 $0x0  }
.LBB2_2:
0x12: {  	p0 =	sne.s32 s16, $0x9FC0;
	[tilespmem:s17+$0x1400] =	vst v0;
	s17 =	smov.u32 s16;
	s16 =	sadd.s32 $0x40, s16  }
.Ltmp0:
0x13: {  	(pc) =	sbr.rel @p0 .LBB2_2-.Ltmp0, $2  }
0x14: {  	_ =	sdelay $0x2  }
0x15: {  	s17 =	sshra.s32 s17, $0x2  }
0x16: {  	[tilespmem:s17+$0x1400] =	vst v0;
	s16 =	simm.s32 $0x0  }
0x17: {  	[tilespmem:s16], [sflag:$0x1] =	stream.strided.gather [hbm4b:s3+s8], $0x1400, s9, s8, $0x38;
	[tilespmem:$0x8E80] =	vst v63  }
0x18: {  	_ =	swait.ge [sflag:s10], $0x1400  }
0x19: {  	[sflag:s10] =	ssyncset.done $0x0  }
0x1a: {  	s17 =	simm.s32 $0x0;
	s16 =	simm.s32 $0x40;
	[sflag:s10] =	ssyncadd.s32 $0xFFFFEC00  }
.LBB2_4:
0x1b: {  	p0 =	sne.s32 s16, $0x4FC0;
	v2 =	vld [tilespmem:s17+$0x0];
	_ =	sdelay $0x3  }
.Ltmp1:
0x1c: {  	(pc) =	sbr.rel @p0 .LBB2_4-.Ltmp1, $2  }
0x1d: {  	_ =	sdelay $0x2  }
0x1e: {  	s17 =	sshra.s32 s16, $0x2;
	s16 =	sadd.s32 $0x40, s16;
	[tilespmem:v2+s11+$0x0] =	vst.idx.add.f32.msk $0xffff, v1  }
0x1f: {  	v2 =	vld [tilespmem:s17+$0x0];
	_ =	sdelay $0x7  }
0x20: {  	[tilespmem:v2+s11+$0x0] =	vst.idx.add.f32.msk $0xffff, v1  }
0x21: {  	[spmem:s4] =	stream.strided.scatter [tilespmem:s11], [sflag:$0x1], $0x2800, s9, s8, $0x38;
	[tilespmem:$0x8E80] =	vst v63  }
0x22: {  	_ =	swait.ge [sflag:s10], $0x2800  }
0x23: {  	[sflag:s10] =	ssyncset.done $0x0  }
0x24: {  	[sflag:s10] =	ssyncadd.s32 $0xFFFFD800  }
0x25: {  	[bflag:$0x0] =	sbarrier.arrive $0xFFFF  }
0x26: {  	[tilespmem:s13], [sflag:$0x1] =	stream.strided.gather [spmem:s5], $0x2800, s12, s11, $0x38;
	[tilespmem:$0x8E80] =	vst v63  }
0x27: {  	s16 =	simm.s32 $0x0;
	_ =	swait.ge [sflag:s10], $0x2800  }
0x28: {  	s30 =	sand.u32 $0x70, s16;
	s16 =	sand.u32 $0x1C00, s16;
	[sflag:s10] =	ssyncset.done $0x0  }
0x29: {  	s16 =	sor.u32 s30, s16;
	[sflag:s10] =	ssyncadd.s32 $0xFFFFD800  }
0x2a: {  	v2 =	vld [tilespmem:s16+$0x3C80]  }
0x2b: {  	v3 =	vld [tilespmem:s16+$0x3C00];
	_ =	sdelay $0x1  }
0x2c: {  	v4 =	vld [tilespmem:s16+$0x3D00];
	_ =	sdelay $0x1  }
0x2d: {  	v5 =	vld [tilespmem:s16+$0x3D80]  }
0x2e: {  	v2 =	vadd.f32 v2, v3  }
0x2f: {  	v3 =	vld [tilespmem:s16+$0x3E00]  }
0x30: {  	v2 =	vadd.f32 v4, v2  }
0x31: {  	v56 =	vld [tilespmem:s16+$0x3E80]  }
0x32: {  	v2 =	vadd.f32 v5, v2  }
0x33: {  	v57 =	vld [tilespmem:s16+$0x3F00]  }
0x34: {  	v2 =	vadd.f32 v3, v2  }
0x35: {  	v3 =	vld [tilespmem:s16+$0x3F80]  }
0x36: {  	v2 =	vadd.f32 v56, v2  }
0x37: {  	v58 =	vld [tilespmem:s16+$0x5000]  }
0x38: {  	v2 =	vadd.f32 v57, v2  }
0x39: {  	v59 =	vld [tilespmem:s16+$0x5080]  }
0x3a: {  	v2 =	vadd.f32 v3, v2  }
0x3b: {  	v3 =	vld [tilespmem:s16+$0x5100]  }
0x3c: {  	v2 =	vadd.f32 v58, v2  }
0x3d: {  	v60 =	vld [tilespmem:s16+$0x5180]  }
0x3e: {  	v2 =	vadd.f32 v59, v2  }
0x3f: {  	v61 =	vld [tilespmem:s16+$0x5200]  }
0x40: {  	v2 =	vadd.f32 v3, v2  }
0x41: {  	v3 =	vld [tilespmem:s16+$0x5280]  }
0x42: {  	v2 =	vadd.f32 v60, v2  }
0x43: {  	v62 =	vld [tilespmem:s16+$0x5300]  }
0x44: {  	v2 =	vadd.f32 v61, v2  }
0x45: {  	v63 =	vld [tilespmem:s16+$0x5380]  }
0x46: {  	v2 =	vadd.f32 v3, v2;
	_ =	sdelay $0x1  }
0x47: {  	v2 =	vadd.f32 v62, v2;
	_ =	sdelay $0x1  }
0x48: {  	s31 =	simm.s32 $0x10;
	s18 =	simm.s32 $0x80;
	v2 =	vadd.f32 v63, v2  }
0x49: {  	s17 =	sand.u32 $0x70, s31;
	s19 =	sand.u32 $0x1C00, s18;
	s16 =	simm.s32 $0x6400  }
0x4a: {  	s17 =	sor.u32 s17, s19;
	s19 =	simm.s32 $0x20;
	[tilespmem:s16+$0x0] =	vst v2  }
.LBB2_6:
0x4b: {  	p0 =	sne.s32 s19, $0x270;
	v2 =	vld [tilespmem:s17+$0x3C80]  }
0x4c: {  	v3 =	vld [tilespmem:s17+$0x3C00];
	_ =	sdelay $0x1  }
0x4d: {  	v4 =	vld [tilespmem:s17+$0x3D00];
	_ =	sdelay $0x1  }
0x4e: {  	v5 =	vld [tilespmem:s17+$0x3D80]  }
0x4f: {  	v2 =	vadd.f32 v2, v3  }
0x50: {  	v3 =	vld [tilespmem:s17+$0x3E00]  }
0x51: {  	v2 =	vadd.f32 v4, v2  }
0x52: {  	v4 =	vld [tilespmem:s17+$0x3E80]  }
0x53: {  	v2 =	vadd.f32 v5, v2  }
0x54: {  	v5 =	vld [tilespmem:s17+$0x3F00]  }
0x55: {  	v2 =	vadd.f32 v3, v2  }
0x56: {  	v3 =	vld [tilespmem:s17+$0x3F80]  }
0x57: {  	v2 =	vadd.f32 v4, v2  }
0x58: {  	v4 =	vld [tilespmem:s17+$0x5000]  }
0x59: {  	v2 =	vadd.f32 v5, v2  }
0x5a: {  	v5 =	vld [tilespmem:s17+$0x5080]  }
0x5b: {  	v2 =	vadd.f32 v3, v2  }
0x5c: {  	v3 =	vld [tilespmem:s17+$0x5100]  }
0x5d: {  	v2 =	vadd.f32 v4, v2  }
0x5e: {  	v4 =	vld [tilespmem:s17+$0x5180]  }
0x5f: {  	v2 =	vadd.f32 v5, v2  }
0x60: {  	v5 =	vld [tilespmem:s17+$0x5200]  }
0x61: {  	v2 =	vadd.f32 v3, v2  }
0x62: {  	v3 =	vld [tilespmem:s17+$0x5280]  }
0x63: {  	v2 =	vadd.f32 v4, v2  }
0x64: {  	v4 =	vld [tilespmem:s17+$0x5300]  }
0x65: {  	v2 =	vadd.f32 v5, v2  }
0x66: {  	v5 =	vld [tilespmem:s17+$0x5380]  }
0x67: {  	v2 =	vadd.f32 v3, v2;
	_ =	sdelay $0x1  }
.Ltmp2:
0x68: {  	v2 =	vadd.f32 v4, v2;
	(pc) =	sbr.rel @p0 .LBB2_6-.Ltmp2, $4  }
0x69: {  	_ = 	snop  }
0x6a: {  	s18 =	sadd.s32 $0x80, s18;
	v2 =	vadd.f32 v5, v2  }
0x6b: {  	s16 =	sadd.s32 $0x10, s16;
	s20 =	sand.u32 $0x1C00, s18;
	s17 =	sand.u32 $0x70, s19  }
0x6c: {  	s19 =	sadd.s32 $0x10, s19;
	s17 =	sor.u32 s17, s20;
	[tilespmem:s16+$0x0] =	vst v2  }
0x6d: {  	v2 =	vld [tilespmem:s17+$0x3C80]  }
0x6e: {  	v3 =	vld [tilespmem:s17+$0x3C00];
	_ =	sdelay $0x1  }
0x6f: {  	v4 =	vld [tilespmem:s17+$0x3D00];
	_ =	sdelay $0x1  }
0x70: {  	v5 =	vld [tilespmem:s17+$0x3D80]  }
0x71: {  	v2 =	vadd.f32 v2, v3  }
0x72: {  	v3 =	vld [tilespmem:s17+$0x3E00]  }
0x73: {  	v2 =	vadd.f32 v4, v2  }
0x74: {  	v56 =	vld [tilespmem:s17+$0x3E80]  }
0x75: {  	v2 =	vadd.f32 v5, v2  }
0x76: {  	v57 =	vld [tilespmem:s17+$0x3F00]  }
0x77: {  	v2 =	vadd.f32 v3, v2  }
0x78: {  	v3 =	vld [tilespmem:s17+$0x3F80]  }
0x79: {  	v2 =	vadd.f32 v56, v2  }
0x7a: {  	v58 =	vld [tilespmem:s17+$0x5000]  }
0x7b: {  	v2 =	vadd.f32 v57, v2  }
0x7c: {  	v59 =	vld [tilespmem:s17+$0x5080]  }
0x7d: {  	v2 =	vadd.f32 v3, v2  }
0x7e: {  	v3 =	vld [tilespmem:s17+$0x5100]  }
0x7f: {  	v2 =	vadd.f32 v58, v2  }
0x80: {  	v60 =	vld [tilespmem:s17+$0x5180]  }
0x81: {  	v2 =	vadd.f32 v59, v2  }
0x82: {  	v61 =	vld [tilespmem:s17+$0x5200]  }
0x83: {  	v2 =	vadd.f32 v3, v2  }
0x84: {  	v3 =	vld [tilespmem:s17+$0x5280]  }
0x85: {  	v2 =	vadd.f32 v60, v2  }
0x86: {  	v62 =	vld [tilespmem:s17+$0x5300]  }
0x87: {  	v2 =	vadd.f32 v61, v2  }
0x88: {  	v63 =	vld [tilespmem:s17+$0x5380]  }
0x89: {  	v2 =	vadd.f32 v3, v2;
	_ =	sdelay $0x1  }
0x8a: {  	v2 =	vadd.f32 v62, v2;
	_ =	sdelay $0x1  }
0x8b: {  	s2 =	sadd.s32 $0x1, s2;
	v2 =	vadd.f32 v63, v2  }
0x8c: {  	s16 =	sadd.s32 $0x10, s16;
	p0 =	sne.s32 s2, s7  }
.Ltmp3:
0x8d: {  	[tilespmem:s16+$0x0] =	vst v2;
	(pc) =	sbr.rel @p0 .LBB2_1-.Ltmp3, $4  }
0x8e: {  	[hbm4b:s6+s8] =	stream.strided.scatter [tilespmem:s15], [sflag:$0x1], $0x280, s14, s8, $0x38;
	[tilespmem:$0x8E80] =	vst v63  }
0x8f: {  	_ =	swait.ge [sflag:s10], $0x280  }
0x90: {  	[sflag:s10] =	ssyncset.done $0x0  }
0x91: {  	[sflag:s10] =	ssyncadd.s32 $0xFFFFFD80  }
0x92: {  	_ =	sfence.sel $0x180000  }
0x93: {  	[bflag:$0x0] =	sbarrier.arrive $0xFFFF  }
0x94: {  	p0 =	sne.s32 s0, $0x0;
	_ =	strace $0x90000047  }
0x95: {  	s0 =	sadd.s32 @!p0 $0x100000, s1;
	[bflag:$0x2] =	sbarrier.arrive $0xFFFF  }
0x96: {  	[sflag:s0] =	ssyncadd.tile.s32 @!p0 $0x1;
	_ =	shalt  }
.Lfunc_end2:
_tile_overlayer_lowered:
.L_overlay_start_2:
0x97: {  	(tag) =	ssettag $0x2  }
0x98: {  	s0 =	rddreg [dreg:$0x0];
	s2 =	stileid.u32  }
0x99: {  	s1 =	rddreg [dreg:$0x1];
	p0 =	sne.s32 s2, $0x0  }
0x9a: {  	s3 =	rddreg [dreg:$0x2];
	[bflag:$0x3] =	sbarrier.arrive $0xFFFF;
	s2 =	simm.s32 @!p0 $0x1C01  }
0x9b: {  	[timem:s3], [sflag:s2] =	dma.local @!p0 [hbm:s0], s1  }
0x9c: {  	s0 =	simm.s32 @!p0 $0x1  }
0x9d: {  	_ =	swait.ge @!p0 [sflag:s0], s1  }
0x9e: {  	s1 =	ssub.s32 @!p0 $0x0, s1;
	[sflag:s0] =	ssyncset.done @!p0 $0x0  }
0x9f: {  	[sflag:s0] =	ssyncadd.s32 @!p0 s1  }
0xa0: {  	[bflag:$0x3] =	sbarrier.arrive $0xFFFF  }
0xa1: {  	_ =	shalt  }

// kernel: kernel.9.cloned.1.call-start
scs
__scs_entry_jumppad:
0x0: {  	(pc) =	sbr.rel $0x88, $3  }
0x1: {  	(tag) =	ssettag $0x0;
	lr =	simm.s32 $0x1  }
0x2: {  	[smem:$0x3F9C] =	sst lr;
	_ =	strace $0xD0000000  }
0x3: {  	_ = 	snop  }
0x4: {  	_ = 	snop  }
0x5: {  	_ = 	snop  }
0x6: {  	_ = 	snop  }
0x7: {  	_ = 	snop  }
__scs_overlays_trampoline_lowered:
0x8: {  	[smem:$0x3FAB] =	sst s0  }
0x9: {  	[smem:$0x3FAC] =	sst s1  }
0xa: {  	[smem:$0x3FAD] =	sst s2  }
0xb: {  	[smem:$0x3FAE] =	sst s3  }
0xc: {  	[smem:$0x3FAF] =	sst s4  }
0xd: {  	[smem:$0x3FB0] =	sst s5  }
0xe: {  	[smem:$0x3FB1] =	sst s6  }
0xf: {  	[smem:$0x3FB2] =	sst s7  }
0x10: {  	[smem:$0x3FB3] =	sst s8  }
0x11: {  	[smem:$0x3FB4] =	sst s9;
	s0 =	simm.s32 @!p0 $0x0  }
0x12: {  	s1 =	sld [smem:$0x3F9A];
	s0 =	simm.s32 @p0 $0x1  }
0x13: {  	[smem:$0x3FB5] =	sst s0;
	s0 =	simm.s32 @!p1 $0x0  }
0x14: {  	s2 =	sld [smem:$0x3F99];
	s0 =	simm.s32 @p1 $0x1  }
0x15: {  	[smem:$0x3FB6] =	sst s0;
	s0 =	simm.s32 @!p2 $0x0  }
0x16: {  	s3 =	sld [smem:$0x3FDB];
	s0 =	simm.s32 @p2 $0x1  }
0x17: {  	s4 =	simm.s32 $0x1BF5;
	[smem:$0x3FB8] =	sst s0  }
0x18: {  	s0 =	sld [smem:$0x3F9B];
	_ =	swait.ge [sflag:s4], $0x0  }
0x19: {  	s7 =	sld [smem:$0x3F9C]  }
0x1a: {  	s8 =	sadd.s32 $0xFFFFE003, lr  }
0x1b: {  	s9 =	sadd.s32 $0xFFFFFEF7, lr;
	s5 =	simm.s32 $0xFFFFFFFF;
	p2 =	slt.u32 s8, $0xFFFFF086  }
0x1c: {  	p1 =	slt.u32 s9, $0xF7A;
	s5 =	simm.s32 @!p2 $0x0  }
0x1d: {  	s5 =	simm.s32 @p1 $0x1;
	p0 =	seq.s32 s7, s2  }
0x1e: {  	s7 =	smul.u32 @!p0 $0xF7A, s2;
	p2 =	seq.s32 @!p0 s5, $0x0  }
0x1f: {  	s9 =	smul.u32 $0xF7A, s1;
	s8 =	simm.s32 @!p0 $0x1BF5;
	p2 =	por !p2, p0  }
0x20: {  	[sflag:s8] =	ssyncset.s32 @!p0 $0xFFFFF086;
	s6 =	sadd.s32 @!p0 s3, s7;
	s7 =	simm.s32 @!p0 $0x108  }
0x21: {  	s3 =	sadd.s32 s3, s9;
	s6 =	sadd.s32 @!p0 $0x88, s6;
	s7 =	simm.s32 @p2 $0x1082  }
0x22: {  	[simem:s7], [sflag:s8] =	dma.local @!p0 [hbm:s6], $0xF7A  }
0x23: {  	s9 =	sor.u32 $0xD0000000, s2;
	s6 =	simm.s32 $0x108;
	_ =	swait.ge @!p0 [sflag:s8], $0x0  }
0x24: {  	s3 =	sadd.s32 $0x88, s3;
	s6 =	simm.s32 @!p1 $0x1082;
	[sflag:s4] =	ssyncset.s32 $0xFFFFF086  }
0x25: {  	[simem:s6], [sflag:s4] =	dma.local [hbm:s3], $0xF7A  }
0x26: {  	[smem:$0x3F9C] =	sst s1;
	(tag) =	ssettag s2;
	_ =	strace s9  }
0x27: {  	s1 =	sld [smem:$0x3FAC]  }
0x28: {  	s2 =	sld [smem:$0x3FAD]  }
0x29: {  	s4 =	sld [smem:$0x3FAF]  }
0x2a: {  	p0 =	seq.s32 s5, $0x0;
	s5 =	sld [smem:$0x3FB0]  }
0x2b: {  	s6 =	sld [smem:$0x3FB1]  }
0x2c: {  	s7 =	sld [smem:$0x3FB2]  }
0x2d: {  	s3 =	simm.s32 $0x108;
	s8 =	sld [smem:$0x3FB3]  }
0x2e: {  	s3 =	simm.s32 @!p0 $0x1082;
	s9 =	sld [smem:$0x3FB4]  }
0x2f: {  	lr =	sadd.s32 s0, s3;
	s0 =	sld [smem:$0x3FAB]  }
0x30: {  	s3 =	sld [smem:$0x3FAE]  }
0x31: {  	[smem:$0x3FB7] =	sst s10  }
0x32: {  	s10 =	sld [smem:$0x3FB5];
	_ =	sdelay $0x3  }
0x33: {  	p0 =	seq.s32 s10, $0x1;
	s10 =	sld [smem:$0x3FB7];
	_ =	sdelay $0x3  }
0x34: {  	[smem:$0x3FB7] =	sst s10  }
0x35: {  	s10 =	sld [smem:$0x3FB6];
	_ =	sdelay $0x3  }
0x36: {  	p1 =	seq.s32 s10, $0x1;
	s10 =	sld [smem:$0x3FB7];
	_ =	sdelay $0x3  }
0x37: {  	[smem:$0x3FB7] =	sst s10  }
0x38: {  	s10 =	sld [smem:$0x3FB8]  }
0x39: {  	_ = 	snop;
	(pc) =	sbr.ind lr, $3  }
0x3a: {  	_ = 	snop  }
0x3b: {  	_ = 	snop  }
0x3c: {  	p2 =	seq.s32 s10, $0x1;
	s10 =	sld [smem:$0x3FB7]  }
0x3d: {  	_ =	shalt  }
0x3e: {  	_ =	shalt  }
0x3f: {  	_ =	shalt  }
0x40: {  	_ =	shalt  }
0x41: {  	_ =	shalt  }
0x42: {  	_ =	shalt  }
0x43: {  	_ =	shalt  }
0x44: {  	_ =	shalt  }
0x45: {  	_ =	shalt  }
0x46: {  	_ =	shalt  }
0x47: {  	_ =	shalt  }
0x48: {  	_ =	shalt  }
0x49: {  	_ =	shalt  }
0x4a: {  	_ =	shalt  }
0x4b: {  	_ =	shalt  }
0x4c: {  	_ =	shalt  }
0x4d: {  	_ =	shalt  }
0x4e: {  	_ =	shalt  }
0x4f: {  	_ =	shalt  }
0x50: {  	_ =	shalt  }
0x51: {  	_ =	shalt  }
0x52: {  	_ =	shalt  }
0x53: {  	_ =	shalt  }
0x54: {  	_ =	shalt  }
0x55: {  	_ =	shalt  }
0x56: {  	_ =	shalt  }
0x57: {  	_ =	shalt  }
0x58: {  	_ =	shalt  }
0x59: {  	_ =	shalt  }
0x5a: {  	_ =	shalt  }
0x5b: {  	_ =	shalt  }
0x5c: {  	_ =	shalt  }
0x5d: {  	_ =	shalt  }
0x5e: {  	_ =	shalt  }
0x5f: {  	_ =	shalt  }
0x60: {  	_ =	shalt  }
0x61: {  	_ =	shalt  }
0x62: {  	_ =	shalt  }
0x63: {  	_ =	shalt  }
0x64: {  	_ =	shalt  }
0x65: {  	_ =	shalt  }
0x66: {  	_ =	shalt  }
0x67: {  	_ =	shalt  }
0x68: {  	_ =	shalt  }
0x69: {  	_ =	shalt  }
0x6a: {  	_ =	shalt  }
0x6b: {  	_ =	shalt  }
0x6c: {  	_ =	shalt  }
0x6d: {  	_ =	shalt  }
0x6e: {  	_ =	shalt  }
0x6f: {  	_ =	shalt  }
0x70: {  	_ =	shalt  }
0x71: {  	_ =	shalt  }
0x72: {  	_ =	shalt  }
0x73: {  	_ =	shalt  }
0x74: {  	_ =	shalt  }
0x75: {  	_ =	shalt  }
0x76: {  	_ =	shalt  }
0x77: {  	_ =	shalt  }
0x78: {  	_ =	shalt  }
0x79: {  	_ =	shalt  }
0x7a: {  	_ =	shalt  }
0x7b: {  	_ =	shalt  }
0x7c: {  	_ =	shalt  }
0x7d: {  	_ =	shalt  }
0x7e: {  	_ =	shalt  }
0x7f: {  	_ =	shalt  }
0x80: {  	_ =	shalt  }
0x81: {  	_ =	shalt  }
0x82: {  	_ =	shalt  }
0x83: {  	_ =	shalt  }
0x84: {  	_ =	shalt  }
0x85: {  	_ =	shalt  }
0x86: {  	_ =	shalt  }
0x87: {  	_ =	shalt  }
.Lfunc_end0:
.L_simem_size_0:
called_computation.1_lowered:
.L_overlay_start_0:
0x88: {  	s2 =	sld [smem:$0x3FD9]  }
0x89: {  	s3 =	sld [smem:$0x3FFE];
	_ =	sdelay $0x1  }
0x8a: {  	s1 =	srdreg.scid  }
0x8b: {  	s0 =	sand.u32 $0x1, s1  }
0x8c: {  	s16 =	sshll.u32 s0, $0xA;
	s2 =	sadd.s32 s3, s2  }
0x8d: {  	s2 =	sadd.s32 s2, s16  }
0x8e: {  	[smem:$0x3FC3] =	sst s2  }
0x8f: {  	_ = 	snop  }
0x90: {  	(tm) =	ssettm $0x1  }
0x91: {  	s17 =	sld [smem:$0x3FFB];
	_ =	sdelay $0x3  }
0x92: {  	_ =	strace s17  }
0x93: {  	s2 =	sld [smem:$0x3FFC];
	_ =	sdelay $0x3  }
0x94: {  	_ =	strace s2  }
0x95: {  	s2 =	sld [smem:$0x3FFD];
	_ =	sdelay $0x3  }
0x96: {  	_ =	strace s2  }
0x97: {  	_ =	strace $0x8FFFFFFF  }
0x98: {  	s18 =	sld [smem:$0x3FDB];
	_ =	sdelay $0x1  }
0x99: {  	s19 =	simm.s32 $_scs_section_size  }
0x9a: {  	s4 =	simm.s32 $_size__tile_overlayer_lowered;
	s5 =	simm.s32 $_tile_overlayer_lowered  }
0x9b: {  	s22 =	simm.s32 $0x1BFF;
	s21 =	sshll.u32 s5, $0x1;
	s2 =	sadd.s32 s19, s18  }
0x9c: {  	s6 =	simm.s32 $0x0;
	s20 =	sshll.u32 s4, $0x1;
	s4 =	sadd.s32 s21, s2  }
0x9d: {  	[timem:s6], [sflag:s22] =	dma.local [hbm:s4], s20  }
0x9e: {  	_ =	swait.ge [sflag:s22], s20  }
0x9f: {  	s3 =	ssub.s32 $0x0, s20;
	[sflag:s22] =	ssyncset.done $0x0  }
0xa0: {  	[sflag:s22] =	ssyncadd.s32 s3;
	_ =	sdelay $0x1  }
0xa1: {  	s23 =	simm.s32 $0x1B8B  }
0xa2: {  	_ =	swait.ge [sflag:s23], $0x1  }
0xa3: {  	[sflag:s23] =	ssyncset.done $0x0  }
0xa4: {  	s25 =	simm.s32 $0x1B8E;
	s24 =	sld [smem:$0x3FFE];
	[sflag:s23] =	ssyncadd.s32 $0xFFFFFFFF  }
0xa5: {  	s26 =	simm.s32 $execute0_lowered;
	[smem:$0x3FD2] =	sst s25  }
0xa6: {  	s4 =	sshll.u32 s26, $0x1;
	_ =	strace $0x80000049;
	[dreg:$0x1] =	wrdreg $0xFFFFFFFF  }
0xa7: {  	s28 =	simm.s32 $_size_execute0_lowered;
	s2 =	sadd.s32 s2, s4;
	[dreg:$0x0] =	wrdreg $0x0  }
0xa8: {  	s4 =	sshll.u32 s28, $0x1;
	[dreg:$0x2] =	wrdreg s2  }
0xa9: {  	[dreg:$0x3] =	wrdreg s4  }
0xaa: {  	[dreg:$0x4] =	wrdreg $0xC0  }
0xab: {  	_ =	task [dreg:s6], $0x5FFFF  }
0xac: {  	[dreg:$0x1] =	wrdreg $0xFFFFFFFF  }
0xad: {  	[dreg:$0x0] =	wrdreg $0x60  }
0xae: {  	[dreg:$0x2] =	wrdreg s24  }
0xaf: {  	[dreg:$0x3] =	wrdreg $0xA2800  }
0xb0: {  	[dreg:$0x4] =	wrdreg $0x9  }
0xb1: {  	_ =	task.clear_ibuf [dreg:s6], $0x5FFFF;
	_ =	strace $0x90000049  }
0xb2: {  	s29 =	simm.s32 $0x9;
	_ =	strace $0x8000004B  }
0xb3: {  	_ =	swait.ge [sflag:s29], $0x1  }
0xb4: {  	[sflag:s29] =	ssyncadd.s32 $0xFFFFFFFF  }
0xb5: {  	_ =	strace $0x9000004B  }
0xb6: {  	_ =	sfence  }
0xb7: {  	s30 =	sld [smem:$0x0];
	_ =	sdelay $0x2  }
0xb8: {  	s31 =	sshll.u32 s1, $0xD;
	s1 =	sshrl.u32 s1, $0x2  }
0xb9: {  	s3 =	sand.u32 $0x4000, s31;
	s1 =	sadd.s32 s1, s30  }
0xba: {  	s0 =	sor.u32 s3, s0;
	s1 =	sshll.u32 s1, $0x11  }
0xbb: {  	s0 =	sor.u32 s1, s0  }
0xbc: {  	s0 =	sadd.s32 $0x8F2B, s0  }
0xbd: {  	[sflag:s0] =	ssyncadd.remote.s32 $0x1  }
0xbe: {  	_ =	sfence.sel $0xFFFF  }
0xbf: {  	[dreg:$0x0] =	wrdreg $0xFFFFFFFF;
	(pc) =	sbr.abs _section_cstart, $3  }
0xc0: {  	[dreg:$0x1] =	wrdreg $0xFFFFFFFF  }
0xc1: {  	_ =	task.clear_ibuf [dreg:s6], $0x2FFFF;
	_ =	strace $0x9FFFFFFF  }
0xc2: {  	(tm) =	ssettm $0x7FFFFFFF  }
0xc3: {  	_ =	shalt  }
tec
execute0_lowered:
.L_overlay_start_1:
0x0: {  	(tag) =	ssettag $0x1  }
0x1: {  	s6 =	rddreg [dreg:$0x0]  }
0x2: {  	s2 =	rddreg [dreg:$0x1]  }
0x3: {  	s0 =	stileid.u32;
	s4 =	srdreg.scid;
	s13 =	simm.s32 $0x400  }
0x4: {  	s14 =	simm.s32 $0x50;
	s15 =	simm.s32 $0x2780;
	s16 =	simm.s32 $0x2A80  }
0x5: {  	s17 =	simm.s32 $0x2800;
	s18 =	simm.s32 $0x5280;
	s19 =	simm.s32 $0x2880  }
0x6: {  	s20 =	simm.s32 $0x7A80;
	s21 =	simm.s32 $0x1;
	s22 =	simm.s32 $0x2900  }
0x7: {  	s23 =	simm.s32 $0x2;
	s28 =	simm.s32 $0x0;
	s26 =	smul.u32 $0x14000, s0  }
0x8: {  	s3 =	sshrl.u32 s0, $0x3;
	s7 =	sshll.u32 s0, $0x7;
	s11 =	smul.u32 $0x50000, s0  }
0x9: {  	s8 =	sand.u32 $0x1, s4;
	s31 =	sshll.u32 s0, $0x6;
	s5 =	smul.u32 $0x13C00, s3  }
0xa: {  	s3 =	simm.s32 $0x0;
	s24 =	sand.u32 $0x380, s7;
	s10 =	ssub.s32 $0x2, s8  }
0xb: {  	s25 =	smul.u32 $0x140000, s8;
	[smem:$0x7FF] =	sst s3;
	s29 =	sshrl.u32 s10, $0x1  }
0xc: {  	s30 =	sshrl.u32 s11, $0x2;
	s4 =	sor.u32 s24, s5;
	_ =	strace $0x8000004A  }
0xd: {  	s5 =	sadd.s32 s26, s25;
	s10 =	ssub.s32 s10, s29;
	s25 =	smul.u32 $0x2710, s8  }
0xe: {  	s11 =	sadd.s32 s30, s2;
	s24 =	simm.s32 $0x2980;
	s26 =	simm.s32 $0x2A00  }
.Ltmp0:
0xf: {  	s9 =	sshrl.u32 s4, $0x3;
	s4 =	sadd.s32 $0x6600, s6;
	(pc) =	sbr.rel .LBB2_1-.Ltmp0, $4  }
0x10: {  	s7 =	sshrl.u32 s5, $0x3;
	s5 =	sadd.s32 $0x54800, s6;
	s9 =	sadd.s32 s9, s6  }
0x11: {  	s12 =	sadd.s32 s7, s6;
	s6 =	sor.u32 $0x1C04, s31;
	v0 =	vmov s25;
	s25 =	simm.s32 $0x3  }
0x12: {  	s7 =	sadd.s32 $0x1600, s9;
	s8 =	sadd.s32 $0x57000, s12;
	s9 =	smax.u32 s10, $0x1  }
0x13: {  	s10 =	sshrl.u32 s11, $0x3;
	s11 =	simm.s32 $0x4;
	s12 =	simm.s32 $0x80  }
.LBB2_6:
0x14: {  	_ =	swait.ge [sflag:s23], $0x2800  }
0x15: {  	[sflag:s23] =	ssyncset.done $0x0  }
0x16: {  	[sflag:s23] =	ssyncadd.s32 $0xFFFFD800  }
0x17: {  	[spmem:s2] =	stream.indirect.scatter.add.f32 [tilespmem:s18], [sflag:$0x4], $0x80, s24, s14, $0xb8;
	[tilespmem:$0x1E280] =	vst v63  }
0x18: {  	_ =	swait.ge [sflag:s11], $0x2800  }
0x19: {  	[sflag:s11] =	ssyncset.done $0x0  }
0x1a: {  	[sflag:s11] =	ssyncadd.s32 $0xFFFFD800  }
.LBB2_4:
0x1b: {  	s28 =	sadd.s32 $0x1, s28  }
0x1c: {  	p0 =	sne.s32 s28, s9  }
.Ltmp1:
0x1d: {  	[bflag:$0x0] =	sbarrier.arrive $0xFFFF;
	(pc) =	sbr.rel @!p0 .LBB2_5-.Ltmp1, $4  }
0x1e: {  	[hbm:s8], [sflag:s6] =	dma.local [spmem:s10], $0x2800  }
0x1f: {  	_ =	swait.ge [sflag:s11], $0x2800  }
0x20: {  	[sflag:s11] =	ssyncset.done $0x0  }
0x21: {  	[sflag:s11] =	ssyncadd.s32 $0xFFFFD800  }
.LBB2_1:
0x22: {  	[spmem:s10], [sflag:s6] =	dma.local [hbm:s5], $0x2800  }
0x23: {  	_ =	swait.ge [sflag:s11], $0x2800  }
0x24: {  	[sflag:s11] =	ssyncset.done $0x0  }
0x25: {  	[sflag:s11] =	ssyncadd.s32 $0xFFFFD800  }
0x26: {  	[tilespmem:s3], [sflag:$0x4] =	stream.strided.gather [hbm4b:s7+s12], $0x2780, s13, s12, $0x38;
	[tilespmem:$0x1E280] =	vst v63  }
0x27: {  	_ =	swait.ge [sflag:s11], $0x2780  }
0x28: {  	[sflag:s11] =	ssyncset.done $0x0  }
0x29: {  	[sflag:s11] =	ssyncadd.s32 $0xFFFFD880  }
0x2a: {  	[bflag:$0x0] =	sbarrier.arrive $0xFFFF  }
0x2b: {  	v1 =	vld [tilespmem:$0x0]  }
0x2c: {  	v2 =	vld [tilespmem:$0x10];
	_ =	sdelay $0x1  }
0x2d: {  	v3 =	vld [tilespmem:$0x20];
	_ =	sdelay $0x1  }
0x2e: {  	v5 =	vld [tilespmem:$0x30];
	v4 =	vand.u32 $0xFFFF, v1;
	v1 =	vshrl.u32 v1, $0x10  }
0x2f: {  	v54 =	vand.u32 $0xFFFF, v2;
	v4 =	vadd.s32 v0, v4;
	[tilespmem:$0x2900] =	vst v1  }
0x30: {  	v55 =	vld [tilespmem:$0x40];
	v1 =	vadd.s32 v0, v54;
	[tilespmem:$0x2780] =	vst v4  }
0x31: {  	[tilespmem:$0x2790] =	vst v1;
	v1 =	vshrl.u32 v2, $0x10;
	v2 =	vand.u32 $0xFFFF, v3  }
0x32: {  	[tilespmem:$0x2910] =	vst v1;
	v1 =	vadd.s32 v0, v2  }
0x33: {  	v2 =	vand.u32 $0xFFFF, v5;
	[tilespmem:$0x27A0] =	vst v1;
	v1 =	vshrl.u32 v3, $0x10  }
0x34: {  	[tilespmem:$0x2920] =	vst v1;
	v1 =	vadd.s32 v0, v2  }
0x35: {  	v2 =	vand.u32 $0xFFFF, v55;
	[tilespmem:$0x27B0] =	vst v1;
	v1 =	vshrl.u32 v5, $0x10  }
0x36: {  	[tilespmem:$0x2930] =	vst v1;
	v1 =	vadd.s32 v0, v2  }
0x37: {  	[tilespmem:$0x27C0] =	vst v1;
	v1 =	vshrl.u32 v55, $0x10  }
0x38: {  	[tilespmem:$0x2940] =	vst v1  }
0x39: {  	[tilespmem:s16], [sflag:$0x1] =	stream.indirect.gather [hbm4b:s4+s14], $0x80, s15, s14, $0xb8;
	[tilespmem:$0x1E280] =	vst v63  }
0x3a: {  	v1 =	vld [tilespmem:$0x50]  }
0x3b: {  	v2 =	vld [tilespmem:$0x60];
	_ =	sdelay $0x1  }
0x3c: {  	v3 =	vld [tilespmem:$0x70];
	_ =	sdelay $0x1  }
0x3d: {  	v57 =	vld [tilespmem:$0x80];
	v56 =	vand.u32 $0xFFFF, v1;
	v1 =	vshrl.u32 v1, $0x10  }
0x3e: {  	v58 =	vand.u32 $0xFFFF, v2;
	v4 =	vadd.s32 v0, v56;
	[tilespmem:$0x2980] =	vst v1  }
0x3f: {  	v59 =	vld [tilespmem:$0x90];
	v1 =	vadd.s32 v0, v58;
	[tilespmem:$0x2800] =	vst v4  }
0x40: {  	[tilespmem:$0x2810] =	vst v1;
	v1 =	vshrl.u32 v2, $0x10;
	v2 =	vand.u32 $0xFFFF, v3  }
0x41: {  	[tilespmem:$0x2990] =	vst v1;
	v1 =	vadd.s32 v0, v2  }
0x42: {  	v2 =	vand.u32 $0xFFFF, v57;
	[tilespmem:$0x2820] =	vst v1;
	v1 =	vshrl.u32 v3, $0x10  }
0x43: {  	[tilespmem:$0x29A0] =	vst v1;
	v1 =	vadd.s32 v0, v2  }
0x44: {  	v2 =	vand.u32 $0xFFFF, v59;
	[tilespmem:$0x2830] =	vst v1;
	v1 =	vshrl.u32 v57, $0x10  }
0x45: {  	[tilespmem:$0x29B0] =	vst v1;
	v1 =	vadd.s32 v0, v2  }
0x46: {  	[tilespmem:$0x2840] =	vst v1;
	v1 =	vshrl.u32 v59, $0x10  }
0x47: {  	[tilespmem:$0x29C0] =	vst v1  }
0x48: {  	[tilespmem:s18], [sflag:$0x2] =	stream.indirect.gather [hbm4b:s4+s14], $0x80, s17, s14, $0xb8;
	[tilespmem:$0x1E280] =	vst v63  }
0x49: {  	v1 =	vld [tilespmem:$0xA0]  }
0x4a: {  	v2 =	vld [tilespmem:$0xB0];
	_ =	sdelay $0x1  }
0x4b: {  	v3 =	vld [tilespmem:$0xC0];
	_ =	sdelay $0x1  }
0x4c: {  	v61 =	vld [tilespmem:$0xD0];
	v60 =	vand.u32 $0xFFFF, v1;
	v1 =	vshrl.u32 v1, $0x10  }
0x4d: {  	v62 =	vand.u32 $0xFFFF, v2;
	v4 =	vadd.s32 v0, v60;
	[tilespmem:$0x2A00] =	vst v1  }
0x4e: {  	v63 =	vld [tilespmem:$0xE0];
	v1 =	vadd.s32 v0, v62;
	[tilespmem:$0x2880] =	vst v4  }
0x4f: {  	[tilespmem:$0x2890] =	vst v1;
	v1 =	vshrl.u32 v2, $0x10;
	v2 =	vand.u32 $0xFFFF, v3  }
0x50: {  	[tilespmem:$0x2A10] =	vst v1;
	v1 =	vadd.s32 v0, v2  }
0x51: {  	v2 =	vand.u32 $0xFFFF, v61;
	[tilespmem:$0x28A0] =	vst v1;
	v1 =	vshrl.u32 v3, $0x10  }
0x52: {  	[tilespmem:$0x2A20] =	vst v1;
	v1 =	vadd.s32 v0, v2  }
0x53: {  	v2 =	vand.u32 $0xFFFF, v63;
	[tilespmem:$0x28B0] =	vst v1;
	v1 =	vshrl.u32 v61, $0x10  }
0x54: {  	[tilespmem:$0x2A30] =	vst v1;
	v1 =	vadd.s32 v0, v2  }
0x55: {  	[tilespmem:$0x28C0] =	vst v1;
	v1 =	vshrl.u32 v63, $0x10  }
0x56: {  	s29 =	simm.s32 $0x1D0;
	s30 =	simm.s32 $0x0;
	[tilespmem:$0x2A40] =	vst v1  }
0x57: {  	[tilespmem:s20], [sflag:$0x3] =	stream.indirect.gather [hbm4b:s4+s14], $0x80, s19, s14, $0xb8;
	[tilespmem:$0x1E280] =	vst v63  }
.LBB2_2:
0x58: {  	_ =	swait.ge [sflag:s21], $0x2800  }
0x59: {  	p0 =	seq.s32 s30, $0x29;
	[sflag:s21] =	ssyncset.done $0x0  }
.Ltmp2:
0x5a: {  	[sflag:s21] =	ssyncadd.s32 $0xFFFFD800;
	(pc) =	sbr.rel @p0 .LBB2_6-.Ltmp2, $4  }
0x5b: {  	[spmem:s2] =	stream.indirect.scatter.add.f32 [tilespmem:s16], [sflag:$0x4], $0x80, s22, s14, $0xb8;
	[tilespmem:$0x1E280] =	vst v63  }
0x5c: {  	_ =	swait.ge [sflag:s11], $0x2800  }
0x5d: {  	[sflag:s11] =	ssyncset.done $0x0  }
0x5e: {  	[sflag:s11] =	ssyncadd.s32 $0xFFFFD800  }
0x5f: {  	v1 =	vld [tilespmem:s29+$0xFFFFFF20];
	_ =	sdelay $0x4  }
0x60: {  	v2 =	vand.u32 $0xFFFF, v1;
	v1 =	vshrl.u32 v1, $0x10  }
0x61: {  	v2 =	vadd.s32 v0, v2;
	[tilespmem:$0x2900] =	vst v1  }
0x62: {  	[tilespmem:$0x2780] =	vst v2  }
0x63: {  	v1 =	vld [tilespmem:s29+$0xFFFFFF30];
	_ =	sdelay $0x4  }
0x64: {  	v2 =	vand.u32 $0xFFFF, v1;
	v1 =	vshrl.u32 v1, $0x10  }
0x65: {  	v2 =	vadd.s32 v0, v2;
	[tilespmem:$0x2910] =	vst v1  }
0x66: {  	[tilespmem:$0x2790] =	vst v2  }
0x67: {  	v1 =	vld [tilespmem:s29+$0xFFFFFF40];
	_ =	sdelay $0x4  }
0x68: {  	v2 =	vand.u32 $0xFFFF, v1;
	v1 =	vshrl.u32 v1, $0x10  }
0x69: {  	v2 =	vadd.s32 v0, v2;
	[tilespmem:$0x2920] =	vst v1  }
0x6a: {  	[tilespmem:$0x27A0] =	vst v2  }
0x6b: {  	v1 =	vld [tilespmem:s29+$0xFFFFFF50];
	_ =	sdelay $0x4  }
0x6c: {  	v2 =	vand.u32 $0xFFFF, v1;
	v1 =	vshrl.u32 v1, $0x10  }
0x6d: {  	v2 =	vadd.s32 v0, v2;
	[tilespmem:$0x2930] =	vst v1  }
0x6e: {  	[tilespmem:$0x27B0] =	vst v2  }
0x6f: {  	v1 =	vld [tilespmem:s29+$0xFFFFFF60];
	_ =	sdelay $0x4  }
0x70: {  	v2 =	vand.u32 $0xFFFF, v1;
	v1 =	vshrl.u32 v1, $0x10  }
0x71: {  	v2 =	vadd.s32 v0, v2;
	[tilespmem:$0x2940] =	vst v1  }
0x72: {  	[tilespmem:$0x27C0] =	vst v2  }
0x73: {  	[tilespmem:s16], [sflag:$0x1] =	stream.indirect.gather [hbm4b:s4+s14], $0x80, s15, s14, $0xb8;
	[tilespmem:$0x1E280] =	vst v63  }
0x74: {  	_ =	swait.ge [sflag:s23], $0x2800  }
0x75: {  	[sflag:s23] =	ssyncset.done $0x0  }
0x76: {  	[sflag:s23] =	ssyncadd.s32 $0xFFFFD800  }
0x77: {  	[spmem:s2] =	stream.indirect.scatter.add.f32 [tilespmem:s18], [sflag:$0x4], $0x80, s24, s14, $0xb8;
	[tilespmem:$0x1E280] =	vst v63  }
0x78: {  	_ =	swait.ge [sflag:s11], $0x2800  }
0x79: {  	[sflag:s11] =	ssyncset.done $0x0  }
0x7a: {  	[sflag:s11] =	ssyncadd.s32 $0xFFFFD800  }
0x7b: {  	v1 =	vld [tilespmem:s29+$0xFFFFFF70];
	_ =	sdelay $0x4  }
0x7c: {  	v2 =	vand.u32 $0xFFFF, v1;
	v1 =	vshrl.u32 v1, $0x10  }
0x7d: {  	v2 =	vadd.s32 v0, v2;
	[tilespmem:$0x2980] =	vst v1  }
0x7e: {  	[tilespmem:$0x2800] =	vst v2  }
0x7f: {  	v1 =	vld [tilespmem:s29+$0xFFFFFF80];
	_ =	sdelay $0x4  }
0x80: {  	v2 =	vand.u32 $0xFFFF, v1;
	v1 =	vshrl.u32 v1, $0x10  }
0x81: {  	v2 =	vadd.s32 v0, v2;
	[tilespmem:$0x2990] =	vst v1  }
0x82: {  	[tilespmem:$0x2810] =	vst v2  }
0x83: {  	v1 =	vld [tilespmem:s29+$0xFFFFFF90];
	_ =	sdelay $0x4  }
0x84: {  	v2 =	vand.u32 $0xFFFF, v1;
	v1 =	vshrl.u32 v1, $0x10  }
0x85: {  	v2 =	vadd.s32 v0, v2;
	[tilespmem:$0x29A0] =	vst v1  }
0x86: {  	[tilespmem:$0x2820] =	vst v2  }
0x87: {  	v1 =	vld [tilespmem:s29+$0xFFFFFFA0];
	_ =	sdelay $0x4  }
0x88: {  	v2 =	vand.u32 $0xFFFF, v1;
	v1 =	vshrl.u32 v1, $0x10  }
0x89: {  	v2 =	vadd.s32 v0, v2;
	[tilespmem:$0x29B0] =	vst v1  }
0x8a: {  	[tilespmem:$0x2830] =	vst v2  }
0x8b: {  	v1 =	vld [tilespmem:s29+$0xFFFFFFB0];
	_ =	sdelay $0x4  }
0x8c: {  	v2 =	vand.u32 $0xFFFF, v1;
	v1 =	vshrl.u32 v1, $0x10  }
0x8d: {  	v2 =	vadd.s32 v0, v2;
	[tilespmem:$0x29C0] =	vst v1  }
0x8e: {  	[tilespmem:$0x2840] =	vst v2  }
0x8f: {  	[tilespmem:s18], [sflag:$0x2] =	stream.indirect.gather [hbm4b:s4+s14], $0x80, s17, s14, $0xb8;
	[tilespmem:$0x1E280] =	vst v63  }
0x90: {  	_ =	swait.ge [sflag:s25], $0x2800  }
0x91: {  	[sflag:s25] =	ssyncset.done $0x0  }
0x92: {  	[sflag:s25] =	ssyncadd.s32 $0xFFFFD800  }
0x93: {  	[spmem:s2] =	stream.indirect.scatter.add.f32 [tilespmem:s20], [sflag:$0x4], $0x80, s26, s14, $0xb8;
	[tilespmem:$0x1E280] =	vst v63  }
0x94: {  	_ =	swait.ge [sflag:s11], $0x2800  }
0x95: {  	[sflag:s11] =	ssyncset.done $0x0  }
0x96: {  	p0 =	sgt.u32 s30, $0x27;
	[sflag:s11] =	ssyncadd.s32 $0xFFFFD800  }
0x97: {  	v1 =	vld @!p0 [tilespmem:s29+$0xFFFFFFC0];
	_ =	sdelay $0x4  }
0x98: {  	v2 =	vand.u32 @!p0 $0xFFFF, v1;
	v1 =	vshrl.u32 @!p0 v1, $0x10  }
0x99: {  	v2 =	vadd.s32 @!p0 v0, v2;
	[tilespmem:$0x2A00] =	vst @!p0 v1  }
0x9a: {  	[tilespmem:$0x2880] =	vst @!p0 v2  }
0x9b: {  	v1 =	vld @!p0 [tilespmem:s29+$0xFFFFFFD0];
	_ =	sdelay $0x4  }
0x9c: {  	v2 =	vand.u32 @!p0 $0xFFFF, v1;
	v1 =	vshrl.u32 @!p0 v1, $0x10  }
0x9d: {  	v2 =	vadd.s32 @!p0 v0, v2;
	[tilespmem:$0x2A10] =	vst @!p0 v1  }
0x9e: {  	[tilespmem:$0x2890] =	vst @!p0 v2  }
0x9f: {  	v1 =	vld @!p0 [tilespmem:s29+$0xFFFFFFE0];
	_ =	sdelay $0x4  }
0xa0: {  	v2 =	vand.u32 @!p0 $0xFFFF, v1;
	v1 =	vshrl.u32 @!p0 v1, $0x10  }
0xa1: {  	v2 =	vadd.s32 @!p0 v0, v2;
	[tilespmem:$0x2A20] =	vst @!p0 v1  }
0xa2: {  	[tilespmem:$0x28A0] =	vst @!p0 v2  }
0xa3: {  	v1 =	vld @!p0 [tilespmem:s29+$0xFFFFFFF0];
	_ =	sdelay $0x4  }
0xa4: {  	v2 =	vand.u32 @!p0 $0xFFFF, v1;
	v1 =	vshrl.u32 @!p0 v1, $0x10  }
0xa5: {  	v2 =	vadd.s32 @!p0 v0, v2;
	[tilespmem:$0x2A30] =	vst @!p0 v1  }
0xa6: {  	[tilespmem:$0x28B0] =	vst @!p0 v2  }
0xa7: {  	v1 =	vld @!p0 [tilespmem:s29+$0x0];
	_ =	sdelay $0x4  }
0xa8: {  	v2 =	vand.u32 @!p0 $0xFFFF, v1;
	v1 =	vshrl.u32 @!p0 v1, $0x10  }
0xa9: {  	s30 =	sadd.s32 $0x1, s30;
	v2 =	vadd.s32 @!p0 v0, v2;
	[tilespmem:$0x2A40] =	vst @!p0 v1  }
0xaa: {  	s31 =	simm.s32 @!p0 $0x50;
	s0 =	simm.s32 @!p0 $0x2880;
	s1 =	simm.s32 @!p0 $0x7A80;
	[tilespmem:$0x28C0] =	vst @!p0 v2  }
0xab: {  	[tilespmem:s1], [sflag:$0x3] =	stream.indirect.gather @!p0 [hbm4b:s4+s31], $0x80, s0, s31, $0xb8;
	[tilespmem:$0x1E280] =	vst v63  }
0xac: {  	p0 =	sne.s32 s30, $0x2A  }
.Ltmp3:
0xad: {  	_ = 	snop;
	(pc) =	sbr.rel @p0 .LBB2_2-.Ltmp3, $4  }
.Ltmp4:
0xae: {  	_ = 	snop;
	(pc) =	sbr.rel @!p0 .LBB2_4-.Ltmp4, $4  }
0xaf: {  	_ = 	snop  }
0xb0: {  	_ = 	snop  }
0xb1: {  	s29 =	sadd.s32 $0xF0, s29  }
0xb2: {  	_ = 	snop  }
.LBB2_5:
0xb3: {  	_ =	sfence.sel $0x180000  }
0xb4: {  	[bflag:$0x0] =	sbarrier.arrive $0xFFFF  }
0xb5: {  	_ =	strace $0x9000004A  }
0xb6: {  	s0 =	stileid.u32;
	[bflag:$0x2] =	sbarrier.arrive $0xFFFF  }
0xb7: {  	p0 =	sne.s32 s0, $0x0;
	s0 =	rddreg [dreg:$0x2]  }
0xb8: {  	s0 =	sadd.s32 @!p0 $0x100000, s0  }
0xb9: {  	[sflag:s0] =	ssyncadd.tile.s32 @!p0 $0x1;
	_ =	shalt  }
.Lfunc_end2:
_tile_overlayer_lowered:
.L_overlay_start_2:
0xba: {  	(tag) =	ssettag $0x2  }
0xbb: {  	s0 =	rddreg [dreg:$0x0];
	s2 =	stileid.u32  }
0xbc: {  	s1 =	rddreg [dreg:$0x1];
	p0 =	sne.s32 s2, $0x0  }
0xbd: {  	s3 =	rddreg [dreg:$0x2];
	[bflag:$0x3] =	sbarrier.arrive $0xFFFF;
	s2 =	simm.s32 @!p0 $0x1C04  }
0xbe: {  	[timem:s3], [sflag:s2] =	dma.local @!p0 [hbm:s0], s1  }
0xbf: {  	s0 =	simm.s32 @!p0 $0x4  }
0xc0: {  	_ =	swait.ge @!p0 [sflag:s0], s1  }
0xc1: {  	s1 =	ssub.s32 @!p0 $0x0, s1;
	[sflag:s0] =	ssyncset.done @!p0 $0x0  }
0xc2: {  	[sflag:s0] =	ssyncadd.s32 @!p0 s1  }
0xc3: {  	[bflag:$0x3] =	sbarrier.arrive $0xFFFF  }
0xc4: {  	_ =	shalt  }

</sc_bundles>
